<compile_context>
chip_gen: v7x
topology: tpu7x:2x2x1
jax: 0.10.2.dev20260603
libtpu: 0.0.44.dev20260713+nightly
codegen_flags: <defaults>
</compile_context>

<pallas_src>
import functools

import jax
import jax.numpy as jnp
from jax import lax
from jax.experimental import pallas as pl
from jax.experimental.pallas import tpu as pltpu
from jax.experimental.pallas import tpu_sc as plsc

B, T, N, C, K = 8, 100, 196, 256, 16
ROWS = B * K
NCORES, NSUB = 2, 16
NW = NCORES * NSUB
RPW = ROWS // NW
WPB = K // RPW

_mesh = plsc.VectorSubcoreMesh(
    core_axis_name="c", subcore_axis_name="s",
    num_cores=NCORES, num_subcores=NSUB)


@functools.partial(
    pl.kernel,
    out_type=(
        jax.ShapeDtypeStruct((B, N, K, C), jnp.float32),
        jax.ShapeDtypeStruct((ROWS, C), jnp.float32),
    ),
    mesh=_mesh,
    scratch_types=[
        pltpu.VMEM((B, K), jnp.int32),
        pltpu.VMEM((N, C // 2), jnp.float32),
        pltpu.VMEM((N, C // 2), jnp.float32),
        pltpu.VMEM((N, C // 2), jnp.float32),
        pltpu.VMEM((N, C // 2), jnp.float32),
        pltpu.VMEM((RPW, C), jnp.float32),
        pltpu.SemaphoreType.DMA,
        pltpu.SemaphoreType.DMA,
        pltpu.SemaphoreType.DMA,
        pltpu.SemaphoreType.DMA,
        pltpu.SemaphoreType.DMA,
        pltpu.SemaphoreType.DMA,
        pltpu.SemaphoreType.DMA,
        pltpu.SemaphoreType.DMA,
        pltpu.SemaphoreType.DMA,
    ],
)
def _sc_gather(tks_hbm, patch_hbm, audio_hbm, outp_hbm, outa_hbm,
               kidx, buf0, buf1, buf2, buf3, abuf,
               sg0, sg1, sg2, sg3, sw0, sw1, sw2, sw3, sa):
    wid = lax.axis_index("s") * NCORES + lax.axis_index("c")
    base = wid * RPW
    b = wid // WPB
    k0 = (wid % WPB) * RPW

    pltpu.sync_copy(tks_hbm, kidx)
    row = kidx[b]
    lanes = lax.iota(jnp.int32, 16)
    sel = jnp.minimum(lanes + jax.lax.broadcast_in_dim(k0, (16,), ()),
                      jnp.full((16,), K - 1, jnp.int32))
    v16 = row.at[sel].get(mode="promise_in_bounds")

    ah = []
    for r in range(RPW):
        ah.append(pltpu.async_copy(
            audio_hbm.at[v16[r], b, :], abuf.at[r], sa))

    NU = 2 * RPW
    bufs = (buf0, buf1, buf2, buf3)
    sgs = (sg0, sg1, sg2, sg3)
    sws = (sw0, sw1, sw2, sw3)

    def src_slice(u):
        r, h = u >> 1, u & 1
        return patch_hbm.at[v16[r], :, b, pl.ds(h * (C // 2), C // 2)]

    def dst_slice(u):
        r, h = u >> 1, u & 1
        return outp_hbm.at[b, :, k0 + r, pl.ds(h * (C // 2), C // 2)]

    gh = [None] * NU
    wh = [None] * NU
    for u in range(4):
        gh[u] = pltpu.async_copy(src_slice(u), bufs[u], sgs[u])
    for u in range(NU):
        bsel = u % 4
        gh[u].wait()
        wh[u] = pltpu.async_copy(bufs[bsel], dst_slice(u), sws[bsel])
        if u + 4 < NU:
            wh[u].wait()
            gh[u + 4] = pltpu.async_copy(
                src_slice(u + 4), bufs[bsel], sgs[bsel])
    for u in range(NU - 4, NU):
        wh[u].wait()

    for h in ah:
        h.wait()
    pltpu.sync_copy(abuf, outa_hbm.at[pl.ds(base, RPW)])


def kernel(top_k_index_sort, patch_feat, audio_feat):
    outp, outa = _sc_gather(
        top_k_index_sort.reshape(B, K).astype(jnp.int32),
        jnp.transpose(patch_feat, (1, 2, 0, 3)),
        jnp.transpose(audio_feat, (1, 0, 2)),
    )
    return (jnp.transpose(outp, (0, 2, 1, 3)),
            outa.reshape(B, K, C))

# --- scband reference (transcript-rebuilt; emitter-appended) ---
"""Pipeline reference for scband-top-ksegs-selection-24404004176329 (READ-ONLY COPY).

The authoritative reference and input builder live on the scoring server;
editing this copy changes nothing except your own understanding.
"""

import jax, jax.numpy as jnp
import numpy as np


def setup_inputs(seed: int = 0) -> dict:
    key = jax.random.key(seed)
    k1, k2, k3 = jax.random.split(key, 3)
    B, T, N, C, K = 8, 100, 196, 256, 16
    top_k_index_sort = jax.random.randint(k1, (B, 1, K), 0, T, dtype=jnp.int64 if jax.config.jax_enable_x64 else jnp.int32)
    patch_feat = jax.random.normal(k2, (B, T, N, C), dtype=jnp.float32)
    audio_feat = jax.random.normal(k3, (B, T, C), dtype=jnp.float32)
    return {"top_k_index_sort": top_k_index_sort, "patch_feat": patch_feat, "audio_feat": audio_feat}


def reference(top_k_index_sort, patch_feat, audio_feat):
    # Original torch loop writes patch_feat[b, idx_j] / audio_feat[b, idx_j] into
    # slot j of a zero-initialized output for j in range(top_k); since every slot
    # is written exactly once, this is a pure gather along the T axis.
    idx = top_k_index_sort[:, 0, :]  # [B, K]
    out_patch = jnp.take_along_axis(patch_feat, idx[:, :, None, None], axis=1)  # [B, K, N, C]
    out_audio = jnp.take_along_axis(audio_feat, idx[:, :, None], axis=1)  # [B, K, C]
    return (out_patch, out_audio)

if __name__ == "__main__":
    import jax
    _d = setup_inputs()
    print(jax.jit(kernel)(*tuple(_d.values())))

</pallas_src>

<mosaic_0001>
#map = affine_map<(d0, d1) -> (0, 0)>
#map1 = affine_map<(d0, d1) -> (0, 0, 0, 0)>
#map2 = affine_map<(d0, d1) -> (0, 0, 0)>
module attributes {stable_mosaic.version = 14 : i64} {
  func.func @_sc_gather(%arg0: i32, %arg1: i32, %arg2: memref<8x16xi32, #tpu.memory_space<hbm>>, %arg3: memref<100x196x8x256xf32, #tpu.memory_space<hbm>>, %arg4: memref<100x8x256xf32, #tpu.memory_space<hbm>>, %arg5: memref<8x196x16x256xf32, #tpu.memory_space<hbm>>, %arg6: memref<128x256xf32, #tpu.memory_space<hbm>>, %arg7: memref<8x16xi32, #tpu.memory_space<vmem>>, %arg8: memref<196x128xf32, #tpu.memory_space<vmem>>, %arg9: memref<196x128xf32, #tpu.memory_space<vmem>>, %arg10: memref<196x128xf32, #tpu.memory_space<vmem>>, %arg11: memref<196x128xf32, #tpu.memory_space<vmem>>, %arg12: memref<4x256xf32, #tpu.memory_space<vmem>>, %arg13: memref<!tpu.dma_semaphore, #tpu.memory_space<semaphore_mem>>, %arg14: memref<!tpu.dma_semaphore, #tpu.memory_space<semaphore_mem>>, %arg15: memref<!tpu.dma_semaphore, #tpu.memory_space<semaphore_mem>>, %arg16: memref<!tpu.dma_semaphore, #tpu.memory_space<semaphore_mem>>, %arg17: memref<!tpu.dma_semaphore, #tpu.memory_space<semaphore_mem>>, %arg18: memref<!tpu.dma_semaphore, #tpu.memory_space<semaphore_mem>>, %arg19: memref<!tpu.dma_semaphore, #tpu.memory_space<semaphore_mem>>, %arg20: memref<!tpu.dma_semaphore, #tpu.memory_space<semaphore_mem>>, %arg21: memref<!tpu.dma_semaphore, #tpu.memory_space<semaphore_mem>>) attributes {dimension_semantics = [#tpu.dimension_semantics<core_parallel>, #tpu.dimension_semantics<subcore_parallel>], iteration_bounds = array<i64: 2, 16>, scalar_prefetch = 0 : i64, scratch_operands = 15 : i64, tpu.core_type = #tpu.core_type<sc_vector_subcore>, window_params = [{transform_indices = #map}, {transform_indices = #map1}, {transform_indices = #map2}, {transform_indices = #map1}, {transform_indices = #map}]} {
    %mul3A = arith.constant 2 : i32
    %mul3A_0 = arith.muli %arg1, %mul3A : i32
    %add3A = arith.addi %mul3A_0, %arg0 : i32
    %mul3A_1 = arith.constant 4 : i32
    %mul3A_2 = arith.muli %add3A, %mul3A_1 : i32
    %jit3A = arith.constant 4 : i32
    %div3A = arith.divsi %add3A, %jit3A : i32
    %sign3A = arith.constant 0 : i32
    %sign3A_3 = arith.cmpi sgt, %add3A, %sign3A : i32
    %sign3A_4 = arith.extui %sign3A_3 : i1 to i32
    %sign3A_5 = arith.constant 0 : i32
    %sign3A_6 = arith.cmpi slt, %add3A, %sign3A_5 : i32
    %sign3A_7 = arith.extui %sign3A_6 : i1 to i32
    %sign3A_8 = arith.subi %sign3A_4, %sign3A_7 : i32
    %sign3A_9 = arith.constant 0 : i32
    %sign3A_10 = arith.cmpi sgt, %jit3A, %sign3A_9 : i32
    %sign3A_11 = arith.extui %sign3A_10 : i1 to i32
    %sign3A_12 = arith.constant 0 : i32
    %sign3A_13 = arith.cmpi slt, %jit3A, %sign3A_12 : i32
    %sign3A_14 = arith.extui %sign3A_13 : i1 to i32
    %sign3A_15 = arith.subi %sign3A_11, %sign3A_14 : i32
    %ne3A = arith.cmpi ne, %sign3A_8, %sign3A_15 : i32
    %rem3A = arith.remsi %add3A, %jit3A : i32
    %ne3A_16 = arith.constant 0 : i32
    %ne3A_17 = arith.cmpi ne, %rem3A, %ne3A_16 : i32
    %and3A = arith.andi %ne3A, %ne3A_17 : i1
    %sub3A = arith.constant 1 : i32
    %sub3A_18 = arith.subi %div3A, %sub3A : i32
    %select_n3A = arith.select %and3A, %sub3A_18, %div3A : i32
    %jit3A_19 = arith.constant 4 : i32
    %eq3A = arith.constant 0 : i32
    %eq3A_20 = arith.cmpi eq, %jit3A_19, %eq3A : i32
    %jit3A_21 = arith.constant 1 : i32
    %select_n3A_22 = arith.select %eq3A_20, %jit3A_21, %jit3A_19 : i32
    %rem3A_23 = arith.remsi %add3A, %select_n3A_22 : i32
    %ne3A_24 = arith.constant 0 : i32
    %ne3A_25 = arith.cmpi ne, %rem3A_23, %ne3A_24 : i32
    %lt3A = arith.constant 0 : i32
    %lt3A_26 = arith.cmpi slt, %rem3A_23, %lt3A : i32
    %lt3A_27 = arith.constant 0 : i32
    %lt3A_28 = arith.cmpi slt, %select_n3A_22, %lt3A_27 : i32
    %ne3A_29 = arith.xori %lt3A_26, %lt3A_28 : i1
    %and3A_30 = arith.andi %ne3A_29, %ne3A_25 : i1
    %add3A_31 = arith.addi %rem3A_23, %select_n3A_22 : i32
    %select_n3A_32 = arith.select %and3A_30, %add3A_31, %rem3A_23 : i32
    %mul3A_33 = arith.constant 4 : i32
    %mul3A_34 = arith.muli %select_n3A_32, %mul3A_33 : i32
    "tpu.region"() ({
      %run_scoped3A = tpu.sem_alloc : memref<!tpu.dma_semaphore, #tpu.memory_space<semaphore_mem>>
      tpu.enqueue_dma source(%arg2 : memref<8x16xi32, #tpu.memory_space<hbm>>) target(%arg7 : memref<8x16xi32, #tpu.memory_space<vmem>>) target_semaphore(%run_scoped3A : memref<!tpu.dma_semaphore, #tpu.memory_space<semaphore_mem>>)
      tpu.wait_dma2 semaphore(%run_scoped3A : memref<!tpu.dma_semaphore, #tpu.memory_space<semaphore_mem>>) src(%arg2 : memref<8x16xi32, #tpu.memory_space<hbm>>) dst(%arg7 : memref<8x16xi32, #tpu.memory_space<vmem>>)
      tpu.yield
    }) : () -> ()
    %get3A = arith.index_cast %select_n3A : i32 to index
    %get3A_35 = arith.constant 0 : index
    %get3A_36 = tpu.vector_load %arg7[%get3A, %get3A_35] {strides = array<i32>} : memref<8x16xi32, #tpu.memory_space<vmem>>, vector<1x16xi32>,
    %get3A_37 = vector.shape_cast %get3A_36 : vector<1x16xi32> to vector<16xi32>
    %iota3A = tpu.iota {dimensions = array<i32: 0>} : vector<16xi32>
    %broadcast_in_dim3A = vector.broadcast %mul3A_34 : i32 to vector<16xi32>
    %add3A_38 = arith.addi %iota3A, %broadcast_in_dim3A : vector<16xi32>
    %broadcast_in_dim3A_39 = arith.constant 15 : i32
    %broadcast_in_dim3A_40 = vector.broadcast %broadcast_in_dim3A_39 : i32 to vector<16xi32>
    %min3A = arith.minsi %add3A_38, %broadcast_in_dim3A_40 : vector<16xi32>
    %lt3A_41 = arith.constant 0 : i32
    %lt3A_42 = vector.broadcast %lt3A_41 : i32 to vector<16xi32>
    %lt3A_43 = arith.cmpi slt, %min3A, %lt3A_42 : vector<16xi32>
    %add3A_44 = arith.constant 16 : i32
    %add3A_45 = vector.broadcast %add3A_44 : i32 to vector<16xi32>
    %add3A_46 = arith.addi %min3A, %add3A_45 : vector<16xi32>
    %select_n3A_47 = arith.select %lt3A_43, %add3A_46, %min3A : vector<16xi1>, vector<16xi32>
    %broadcast_in_dim3A_48 = vector.shape_cast %select_n3A_47 : vector<16xi32> to vector<16x1xi32>
    %gather3A = vector.shape_cast %broadcast_in_dim3A_48 : vector<16x1xi32> to vector<16xi32>
    %gather3A_49 = tpu.dynamic_gather %get3A_37[%gather3A] in [0] : vector<16xi32>, vector<16xi32> -> vector<16xi32>
    %slice3A = vector.extract_strided_slice %gather3A_49 {offsets = [0], sizes = [1], strides = [1]} : vector<16xi32> to vector<1xi32>
    %squeeze3A = vector.extract %slice3A[0] : i32 from vector<1xi32>
    %dma_start3A = arith.constant 0 : i32
    %dma_start3A_50 = arith.constant 0 : i32
    %dma_start3A_51 = tpu.memref_slice %arg12[%dma_start3A, %dma_start3A_50] : memref<4x256xf32, #tpu.memory_space<vmem>> -> memref<1x256xf32, #tpu.memory_space<vmem>>
    %dma_start3A_52 = tpu.memref_squeeze %dma_start3A_51 : memref<1x256xf32, #tpu.memory_space<vmem>> -> memref<256xf32, #tpu.memory_space<vmem>>
    %dma_start3A_53 = arith.constant 0 : i32
    %dma_start3A_54 = tpu.memref_slice %arg4[%squeeze3A, %select_n3A, %dma_start3A_53] : memref<100x8x256xf32, #tpu.memory_space<hbm>> -> memref<1x1x256xf32, #tpu.memory_space<hbm>>
    %dma_start3A_55 = tpu.memref_squeeze %dma_start3A_54 : memref<1x1x256xf32, #tpu.memory_space<hbm>> -> memref<256xf32, #tpu.memory_space<hbm>>
    %dma_start3A_56 = arith.constant 0 : i32
    %dma_start3A_57 = tpu.memref_slice %arg12[%dma_start3A, %dma_start3A_56] : memref<4x256xf32, #tpu.memory_space<vmem>> -> memref<1x256xf32, #tpu.memory_space<vmem>>
    %dma_start3A_58 = tpu.memref_squeeze %dma_start3A_57 : memref<1x256xf32, #tpu.memory_space<vmem>> -> memref<256xf32, #tpu.memory_space<vmem>>
    %dma_start3A_59 = arith.constant 0 : i32
    %dma_start3A_60 = tpu.memref_slice %arg4[%squeeze3A, %select_n3A, %dma_start3A_59] : memref<100x8x256xf32, #tpu.memory_space<hbm>> -> memref<1x1x256xf32, #tpu.memory_space<hbm>>
    %dma_start3A_61 = tpu.memref_squeeze %dma_start3A_60 : memref<1x1x256xf32, #tpu.memory_space<hbm>> -> memref<256xf32, #tpu.memory_space<hbm>>
    tpu.enqueue_dma source(%dma_start3A_61 : memref<256xf32, #tpu.memory_space<hbm>>) target(%dma_start3A_58 : memref<256xf32, #tpu.memory_space<vmem>>) target_semaphore(%arg21 : memref<!tpu.dma_semaphore, #tpu.memory_space<semaphore_mem>>)
    %slice3A_62 = vector.extract_strided_slice %gather3A_49 {offsets = [1], sizes = [1], strides = [1]} : vector<16xi32> to vector<1xi32>
    %squeeze3A_63 = vector.extract %slice3A_62[0] : i32 from vector<1xi32>
    %dma_start3A_64 = arith.constant 1 : i32
    %dma_start3A_65 = arith.constant 0 : i32
    %dma_start3A_66 = tpu.memref_slice %arg12[%dma_start3A_64, %dma_start3A_65] : memref<4x256xf32, #tpu.memory_space<vmem>> -> memref<1x256xf32, #tpu.memory_space<vmem>>
    %dma_start3A_67 = tpu.memref_squeeze %dma_start3A_66 : memref<1x256xf32, #tpu.memory_space<vmem>> -> memref<256xf32, #tpu.memory_space<vmem>>
    %dma_start3A_68 = arith.constant 0 : i32
    %dma_start3A_69 = tpu.memref_slice %arg4[%squeeze3A_63, %select_n3A, %dma_start3A_68] : memref<100x8x256xf32, #tpu.memory_space<hbm>> -> memref<1x1x256xf32, #tpu.memory_space<hbm>>
    %dma_start3A_70 = tpu.memref_squeeze %dma_start3A_69 : memref<1x1x256xf32, #tpu.memory_space<hbm>> -> memref<256xf32, #tpu.memory_space<hbm>>
    %dma_start3A_71 = arith.constant 0 : i32
    %dma_start3A_72 = tpu.memref_slice %arg12[%dma_start3A_64, %dma_start3A_71] : memref<4x256xf32, #tpu.memory_space<vmem>> -> memref<1x256xf32, #tpu.memory_space<vmem>>
    %dma_start3A_73 = tpu.memref_squeeze %dma_start3A_72 : memref<1x256xf32, #tpu.memory_space<vmem>> -> memref<256xf32, #tpu.memory_space<vmem>>
    %dma_start3A_74 = arith.constant 0 : i32
    %dma_start3A_75 = tpu.memref_slice %arg4[%squeeze3A_63, %select_n3A, %dma_start3A_74] : memref<100x8x256xf32, #tpu.memory_space<hbm>> -> memref<1x1x256xf32, #tpu.memory_space<hbm>>
    %dma_start3A_76 = tpu.memref_squeeze %dma_start3A_75 : memref<1x1x256xf32, #tpu.memory_space<hbm>> -> memref<256xf32, #tpu.memory_space<hbm>>
    tpu.enqueue_dma source(%dma_start3A_76 : memref<256xf32, #tpu.memory_space<hbm>>) target(%dma_start3A_73 : memref<256xf32, #tpu.memory_space<vmem>>) target_semaphore(%arg21 : memref<!tpu.dma_semaphore, #tpu.memory_space<semaphore_mem>>)
    %slice3A_77 = vector.extract_strided_slice %gather3A_49 {offsets = [2], sizes = [1], strides = [1]} : vector<16xi32> to vector<1xi32>
    %squeeze3A_78 = vector.extract %slice3A_77[0] : i32 from vector<1xi32>
    %dma_start3A_79 = arith.constant 2 : i32
    %dma_start3A_80 = arith.constant 0 : i32
    %dma_start3A_81 = tpu.memref_slice %arg12[%dma_start3A_79, %dma_start3A_80] : memref<4x256xf32, #tpu.memory_space<vmem>> -> memref<1x256xf32, #tpu.memory_space<vmem>>
    %dma_start3A_82 = tpu.memref_squeeze %dma_start3A_81 : memref<1x256xf32, #tpu.memory_space<vmem>> -> memref<256xf32, #tpu.memory_space<vmem>>
    %dma_start3A_83 = arith.constant 0 : i32
    %dma_start3A_84 = tpu.memref_slice %arg4[%squeeze3A_78, %select_n3A, %dma_start3A_83] : memref<100x8x256xf32, #tpu.memory_space<hbm>> -> memref<1x1x256xf32, #tpu.memory_space<hbm>>
    %dma_start3A_85 = tpu.memref_squeeze %dma_start3A_84 : memref<1x1x256xf32, #tpu.memory_space<hbm>> -> memref<256xf32, #tpu.memory_space<hbm>>
    %dma_start3A_86 = arith.constant 0 : i32
    %dma_start3A_87 = tpu.memref_slice %arg12[%dma_start3A_79, %dma_start3A_86] : memref<4x256xf32, #tpu.memory_space<vmem>> -> memref<1x256xf32, #tpu.memory_space<vmem>>
    %dma_start3A_88 = tpu.memref_squeeze %dma_start3A_87 : memref<1x256xf32, #tpu.memory_space<vmem>> -> memref<256xf32, #tpu.memory_space<vmem>>
    %dma_start3A_89 = arith.constant 0 : i32
    %dma_start3A_90 = tpu.memref_slice %arg4[%squeeze3A_78, %select_n3A, %dma_start3A_89] : memref<100x8x256xf32, #tpu.memory_space<hbm>> -> memref<1x1x256xf32, #tpu.memory_space<hbm>>
    %dma_start3A_91 = tpu.memref_squeeze %dma_start3A_90 : memref<1x1x256xf32, #tpu.memory_space<hbm>> -> memref<256xf32, #tpu.memory_space<hbm>>
    tpu.enqueue_dma source(%dma_start3A_91 : memref<256xf32, #tpu.memory_space<hbm>>) target(%dma_start3A_88 : memref<256xf32, #tpu.memory_space<vmem>>) target_semaphore(%arg21 : memref<!tpu.dma_semaphore, #tpu.memory_space<semaphore_mem>>)
    %slice3A_92 = vector.extract_strided_slice %gather3A_49 {offsets = [3], sizes = [1], strides = [1]} : vector<16xi32> to vector<1xi32>
    %squeeze3A_93 = vector.extract %slice3A_92[0] : i32 from vector<1xi32>
    %dma_start3A_94 = arith.constant 3 : i32
    %dma_start3A_95 = arith.constant 0 : i32
    %dma_start3A_96 = tpu.memref_slice %arg12[%dma_start3A_94, %dma_start3A_95] : memref<4x256xf32, #tpu.memory_space<vmem>> -> memref<1x256xf32, #tpu.memory_space<vmem>>
    %dma_start3A_97 = tpu.memref_squeeze %dma_start3A_96 : memref<1x256xf32, #tpu.memory_space<vmem>> -> memref<256xf32, #tpu.memory_space<vmem>>
    %dma_start3A_98 = arith.constant 0 : i32
    %dma_start3A_99 = tpu.memref_slice %arg4[%squeeze3A_93, %select_n3A, %dma_start3A_98] : memref<100x8x256xf32, #tpu.memory_space<hbm>> -> memref<1x1x256xf32, #tpu.memory_space<hbm>>
    %dma_start3A_100 = tpu.memref_squeeze %dma_start3A_99 : memref<1x1x256xf32, #tpu.memory_space<hbm>> -> memref<256xf32, #tpu.memory_space<hbm>>
    %dma_start3A_101 = arith.constant 0 : i32
    %dma_start3A_102 = tpu.memref_slice %arg12[%dma_start3A_94, %dma_start3A_101] : memref<4x256xf32, #tpu.memory_space<vmem>> -> memref<1x256xf32, #tpu.memory_space<vmem>>
    %dma_start3A_103 = tpu.memref_squeeze %dma_start3A_102 : memref<1x256xf32, #tpu.memory_space<vmem>> -> memref<256xf32, #tpu.memory_space<vmem>>
    %dma_start3A_104 = arith.constant 0 : i32
    %dma_start3A_105 = tpu.memref_slice %arg4[%squeeze3A_93, %select_n3A, %dma_start3A_104] : memref<100x8x256xf32, #tpu.memory_space<hbm>> -> memref<1x1x256xf32, #tpu.memory_space<hbm>>
    %dma_start3A_106 = tpu.memref_squeeze %dma_start3A_105 : memref<1x1x256xf32, #tpu.memory_space<hbm>> -> memref<256xf32, #tpu.memory_space<hbm>>
    tpu.enqueue_dma source(%dma_start3A_106 : memref<256xf32, #tpu.memory_space<hbm>>) target(%dma_start3A_103 : memref<256xf32, #tpu.memory_space<vmem>>) target_semaphore(%arg21 : memref<!tpu.dma_semaphore, #tpu.memory_space<semaphore_mem>>)
    %slice3A_107 = vector.extract_strided_slice %gather3A_49 {offsets = [0], sizes = [1], strides = [1]} : vector<16xi32> to vector<1xi32>
    %squeeze3A_108 = vector.extract %slice3A_107[0] : i32 from vector<1xi32>
    %dma_start3A_109 = arith.constant 0 : i32
    %dma_start3A_110 = arith.constant 0 : i32
    %dma_start3A_111 = tpu.memref_slice %arg3[%squeeze3A_108, %dma_start3A_109, %select_n3A, %dma_start3A_110] : memref<100x196x8x256xf32, #tpu.memory_space<hbm>> -> memref<1x196x1x128xf32, #tpu.memory_space<hbm>>
    %dma_start3A_112 = tpu.memref_squeeze %dma_start3A_111 : memref<1x196x1x128xf32, #tpu.memory_space<hbm>> -> memref<196x128xf32, #tpu.memory_space<hbm>>
    %dma_start3A_113 = arith.constant 0 : i32
    %dma_start3A_114 = arith.constant 0 : i32
    %dma_start3A_115 = tpu.memref_slice %arg3[%squeeze3A_108, %dma_start3A_113, %select_n3A, %dma_start3A_114] : memref<100x196x8x256xf32, #tpu.memory_space<hbm>> -> memref<1x196x1x128xf32, #tpu.memory_space<hbm>>
    %dma_start3A_116 = tpu.memref_squeeze %dma_start3A_115 : memref<1x196x1x128xf32, #tpu.memory_space<hbm>> -> memref<196x128xf32, #tpu.memory_space<hbm>>
    tpu.enqueue_dma source(%dma_start3A_116 : memref<196x128xf32, #tpu.memory_space<hbm>>) target(%arg8 : memref<196x128xf32, #tpu.memory_space<vmem>>) target_semaphore(%arg13 : memref<!tpu.dma_semaphore, #tpu.memory_space<semaphore_mem>>)
    %slice3A_117 = vector.extract_strided_slice %gather3A_49 {offsets = [0], sizes = [1], strides = [1]} : vector<16xi32> to vector<1xi32>
    %squeeze3A_118 = vector.extract %slice3A_117[0] : i32 from vector<1xi32>
    %dma_start3A_119 = arith.constant 0 : i32
    %dma_start3A_120 = arith.constant 128 : i32
    %dma_start3A_121 = tpu.memref_slice %arg3[%squeeze3A_118, %dma_start3A_119, %select_n3A, %dma_start3A_120] : memref<100x196x8x256xf32, #tpu.memory_space<hbm>> -> memref<1x196x1x128xf32, #tpu.memory_space<hbm>>
    %dma_start3A_122 = tpu.memref_squeeze %dma_start3A_121 : memref<1x196x1x128xf32, #tpu.memory_space<hbm>> -> memref<196x128xf32, #tpu.memory_space<hbm>>
    %dma_start3A_123 = arith.constant 0 : i32
    %dma_start3A_124 = arith.constant 128 : i32
    %dma_start3A_125 = tpu.memref_slice %arg3[%squeeze3A_118, %dma_start3A_123, %select_n3A, %dma_start3A_124] : memref<100x196x8x256xf32, #tpu.memory_space<hbm>> -> memref<1x196x1x128xf32, #tpu.memory_space<hbm>>
    %dma_start3A_126 = tpu.memref_squeeze %dma_start3A_125 : memref<1x196x1x128xf32, #tpu.memory_space<hbm>> -> memref<196x128xf32, #tpu.memory_space<hbm>>
    tpu.enqueue_dma source(%dma_start3A_126 : memref<196x128xf32, #tpu.memory_space<hbm>>) target(%arg9 : memref<196x128xf32, #tpu.memory_space<vmem>>) target_semaphore(%arg14 : memref<!tpu.dma_semaphore, #tpu.memory_space<semaphore_mem>>)
    %slice3A_127 = vector.extract_strided_slice %gather3A_49 {offsets = [1], sizes = [1], strides = [1]} : vector<16xi32> to vector<1xi32>
    %squeeze3A_128 = vector.extract %slice3A_127[0] : i32 from vector<1xi32>
    %dma_start3A_129 = arith.constant 0 : i32
    %dma_start3A_130 = arith.constant 0 : i32
    %dma_start3A_131 = tpu.memref_slice %arg3[%squeeze3A_128, %dma_start3A_129, %select_n3A, %dma_start3A_130] : memref<100x196x8x256xf32, #tpu.memory_space<hbm>> -> memref<1x196x1x128xf32, #tpu.memory_space<hbm>>
    %dma_start3A_132 = tpu.memref_squeeze %dma_start3A_131 : memref<1x196x1x128xf32, #tpu.memory_space<hbm>> -> memref<196x128xf32, #tpu.memory_space<hbm>>
    %dma_start3A_133 = arith.constant 0 : i32
    %dma_start3A_134 = arith.constant 0 : i32
    %dma_start3A_135 = tpu.memref_slice %arg3[%squeeze3A_128, %dma_start3A_133, %select_n3A, %dma_start3A_134] : memref<100x196x8x256xf32, #tpu.memory_space<hbm>> -> memref<1x196x1x128xf32, #tpu.memory_space<hbm>>
    %dma_start3A_136 = tpu.memref_squeeze %dma_start3A_135 : memref<1x196x1x128xf32, #tpu.memory_space<hbm>> -> memref<196x128xf32, #tpu.memory_space<hbm>>
    tpu.enqueue_dma source(%dma_start3A_136 : memref<196x128xf32, #tpu.memory_space<hbm>>) target(%arg10 : memref<196x128xf32, #tpu.memory_space<vmem>>) target_semaphore(%arg15 : memref<!tpu.dma_semaphore, #tpu.memory_space<semaphore_mem>>)
    %slice3A_137 = vector.extract_strided_slice %gather3A_49 {offsets = [1], sizes = [1], strides = [1]} : vector<16xi32> to vector<1xi32>
    %squeeze3A_138 = vector.extract %slice3A_137[0] : i32 from vector<1xi32>
    %dma_start3A_139 = arith.constant 0 : i32
    %dma_start3A_140 = arith.constant 128 : i32
    %dma_start3A_141 = tpu.memref_slice %arg3[%squeeze3A_138, %dma_start3A_139, %select_n3A, %dma_start3A_140] : memref<100x196x8x256xf32, #tpu.memory_space<hbm>> -> memref<1x196x1x128xf32, #tpu.memory_space<hbm>>
    %dma_start3A_142 = tpu.memref_squeeze %dma_start3A_141 : memref<1x196x1x128xf32, #tpu.memory_space<hbm>> -> memref<196x128xf32, #tpu.memory_space<hbm>>
    %dma_start3A_143 = arith.constant 0 : i32
    %dma_start3A_144 = arith.constant 128 : i32
    %dma_start3A_145 = tpu.memref_slice %arg3[%squeeze3A_138, %dma_start3A_143, %select_n3A, %dma_start3A_144] : memref<100x196x8x256xf32, #tpu.memory_space<hbm>> -> memref<1x196x1x128xf32, #tpu.memory_space<hbm>>
    %dma_start3A_146 = tpu.memref_squeeze %dma_start3A_145 : memref<1x196x1x128xf32, #tpu.memory_space<hbm>> -> memref<196x128xf32, #tpu.memory_space<hbm>>
    tpu.enqueue_dma source(%dma_start3A_146 : memref<196x128xf32, #tpu.memory_space<hbm>>) target(%arg11 : memref<196x128xf32, #tpu.memory_space<vmem>>) target_semaphore(%arg16 : memref<!tpu.dma_semaphore, #tpu.memory_space<semaphore_mem>>)
    %dma_wait3A = arith.constant 0 : i32
    %dma_wait3A_147 = arith.constant 0 : i32
    %dma_wait3A_148 = tpu.memref_slice %arg3[%squeeze3A_108, %dma_wait3A, %select_n3A, %dma_wait3A_147] : memref<100x196x8x256xf32, #tpu.memory_space<hbm>> -> memref<1x196x1x128xf32, #tpu.memory_space<hbm>>
    %dma_wait3A_149 = tpu.memref_squeeze %dma_wait3A_148 : memref<1x196x1x128xf32, #tpu.memory_space<hbm>> -> memref<196x128xf32, #tpu.memory_space<hbm>>
    %dma_wait3A_150 = arith.constant 0 : i32
    %dma_wait3A_151 = arith.constant 0 : i32
    %dma_wait3A_152 = tpu.memref_slice %arg3[%squeeze3A_108, %dma_wait3A_150, %select_n3A, %dma_wait3A_151] : memref<100x196x8x256xf32, #tpu.memory_space<hbm>> -> memref<1x196x1x128xf32, #tpu.memory_space<hbm>>
    %dma_wait3A_153 = tpu.memref_squeeze %dma_wait3A_152 : memref<1x196x1x128xf32, #tpu.memory_space<hbm>> -> memref<196x128xf32, #tpu.memory_space<hbm>>
    tpu.wait_dma2 semaphore(%arg13 : memref<!tpu.dma_semaphore, #tpu.memory_space<semaphore_mem>>) src(%dma_wait3A_153 : memref<196x128xf32, #tpu.memory_space<hbm>>) dst(%arg8 : memref<196x128xf32, #tpu.memory_space<vmem>>)
    %add3A_154 = arith.constant 0 : i32
    %add3A_155 = arith.addi %mul3A_34, %add3A_154 : i32
    %dma_start3A_156 = arith.constant 0 : i32
    %dma_start3A_157 = arith.constant 0 : i32
    %dma_start3A_158 = tpu.memref_slice %arg5[%select_n3A, %dma_start3A_156, %add3A_155, %dma_start3A_157] : memref<8x196x16x256xf32, #tpu.memory_space<hbm>> -> memref<1x196x1x128xf32, #tpu.memory_space<hbm>>
    %dma_start3A_159 = tpu.memref_squeeze %dma_start3A_158 : memref<1x196x1x128xf32, #tpu.memory_space<hbm>> -> memref<196x128xf32, #tpu.memory_space<hbm>>
    %dma_start3A_160 = arith.constant 0 : i32
    %dma_start3A_161 = arith.constant 0 : i32
    %dma_start3A_162 = tpu.memref_slice %arg5[%select_n3A, %dma_start3A_160, %add3A_155, %dma_start3A_161] : memref<8x196x16x256xf32, #tpu.memory_space<hbm>> -> memref<1x196x1x128xf32, #tpu.memory_space<hbm>>
    %dma_start3A_163 = tpu.memref_squeeze %dma_start3A_162 : memref<1x196x1x128xf32, #tpu.memory_space<hbm>> -> memref<196x128xf32, #tpu.memory_space<hbm>>
    tpu.enqueue_dma source(%arg8 : memref<196x128xf32, #tpu.memory_space<vmem>>) target(%dma_start3A_163 : memref<196x128xf32, #tpu.memory_space<hbm>>) target_semaphore(%arg17 : memref<!tpu.dma_semaphore, #tpu.memory_space<semaphore_mem>>)
    %dma_wait3A_164 = arith.constant 0 : i32
    %dma_wait3A_165 = arith.constant 0 : i32
    %dma_wait3A_166 = tpu.memref_slice %arg5[%select_n3A, %dma_wait3A_164, %add3A_155, %dma_wait3A_165] : memref<8x196x16x256xf32, #tpu.memory_space<hbm>> -> memref<1x196x1x128xf32, #tpu.memory_space<hbm>>
    %dma_wait3A_167 = tpu.memref_squeeze %dma_wait3A_166 : memref<1x196x1x128xf32, #tpu.memory_space<hbm>> -> memref<196x128xf32, #tpu.memory_space<hbm>>
    %dma_wait3A_168 = arith.constant 0 : i32
    %dma_wait3A_169 = arith.constant 0 : i32
    %dma_wait3A_170 = tpu.memref_slice %arg5[%select_n3A, %dma_wait3A_168, %add3A_155, %dma_wait3A_169] : memref<8x196x16x256xf32, #tpu.memory_space<hbm>> -> memref<1x196x1x128xf32, #tpu.memory_space<hbm>>
    %dma_wait3A_171 = tpu.memref_squeeze %dma_wait3A_170 : memref<1x196x1x128xf32, #tpu.memory_space<hbm>> -> memref<196x128xf32, #tpu.memory_space<hbm>>
    tpu.wait_dma2 semaphore(%arg17 : memref<!tpu.dma_semaphore, #tpu.memory_space<semaphore_mem>>) src(%arg8 : memref<196x128xf32, #tpu.memory_space<vmem>>) dst(%dma_wait3A_171 : memref<196x128xf32, #tpu.memory_space<hbm>>)
    %slice3A_172 = vector.extract_strided_slice %gather3A_49 {offsets = [2], sizes = [1], strides = [1]} : vector<16xi32> to vector<1xi32>
    %squeeze3A_173 = vector.extract %slice3A_172[0] : i32 from vector<1xi32>
    %dma_start3A_174 = arith.constant 0 : i32
    %dma_start3A_175 = arith.constant 0 : i32
    %dma_start3A_176 = tpu.memref_slice %arg3[%squeeze3A_173, %dma_start3A_174, %select_n3A, %dma_start3A_175] : memref<100x196x8x256xf32, #tpu.memory_space<hbm>> -> memref<1x196x1x128xf32, #tpu.memory_space<hbm>>
    %dma_start3A_177 = tpu.memref_squeeze %dma_start3A_176 : memref<1x196x1x128xf32, #tpu.memory_space<hbm>> -> memref<196x128xf32, #tpu.memory_space<hbm>>
    %dma_start3A_178 = arith.constant 0 : i32
    %dma_start3A_179 = arith.constant 0 : i32
    %dma_start3A_180 = tpu.memref_slice %arg3[%squeeze3A_173, %dma_start3A_178, %select_n3A, %dma_start3A_179] : memref<100x196x8x256xf32, #tpu.memory_space<hbm>> -> memref<1x196x1x128xf32, #tpu.memory_space<hbm>>
    %dma_start3A_181 = tpu.memref_squeeze %dma_start3A_180 : memref<1x196x1x128xf32, #tpu.memory_space<hbm>> -> memref<196x128xf32, #tpu.memory_space<hbm>>
    tpu.enqueue_dma source(%dma_start3A_181 : memref<196x128xf32, #tpu.memory_space<hbm>>) target(%arg8 : memref<196x128xf32, #tpu.memory_space<vmem>>) target_semaphore(%arg13 : memref<!tpu.dma_semaphore, #tpu.memory_space<semaphore_mem>>)
    %dma_wait3A_182 = arith.constant 0 : i32
    %dma_wait3A_183 = arith.constant 128 : i32
    %dma_wait3A_184 = tpu.memref_slice %arg3[%squeeze3A_118, %dma_wait3A_182, %select_n3A, %dma_wait3A_183] : memref<100x196x8x256xf32, #tpu.memory_space<hbm>> -> memref<1x196x1x128xf32, #tpu.memory_space<hbm>>
    %dma_wait3A_185 = tpu.memref_squeeze %dma_wait3A_184 : memref<1x196x1x128xf32, #tpu.memory_space<hbm>> -> memref<196x128xf32, #tpu.memory_space<hbm>>
    %dma_wait3A_186 = arith.constant 0 : i32
    %dma_wait3A_187 = arith.constant 128 : i32
    %dma_wait3A_188 = tpu.memref_slice %arg3[%squeeze3A_118, %dma_wait3A_186, %select_n3A, %dma_wait3A_187] : memref<100x196x8x256xf32, #tpu.memory_space<hbm>> -> memref<1x196x1x128xf32, #tpu.memory_space<hbm>>
    %dma_wait3A_189 = tpu.memref_squeeze %dma_wait3A_188 : memref<1x196x1x128xf32, #tpu.memory_space<hbm>> -> memref<196x128xf32, #tpu.memory_space<hbm>>
    tpu.wait_dma2 semaphore(%arg14 : memref<!tpu.dma_semaphore, #tpu.memory_space<semaphore_mem>>) src(%dma_wait3A_189 : memref<196x128xf32, #tpu.memory_space<hbm>>) dst(%arg9 : memref<196x128xf32, #tpu.memory_space<vmem>>)
    %add3A_190 = arith.constant 0 : i32
    %add3A_191 = arith.addi %mul3A_34, %add3A_190 : i32
    %dma_start3A_192 = arith.constant 0 : i32
    %dma_start3A_193 = arith.constant 128 : i32
    %dma_start3A_194 = tpu.memref_slice %arg5[%select_n3A, %dma_start3A_192, %add3A_191, %dma_start3A_193] : memref<8x196x16x256xf32, #tpu.memory_space<hbm>> -> memref<1x196x1x128xf32, #tpu.memory_space<hbm>>
    %dma_start3A_195 = tpu.memref_squeeze %dma_start3A_194 : memref<1x196x1x128xf32, #tpu.memory_space<hbm>> -> memref<196x128xf32, #tpu.memory_space<hbm>>
    %dma_start3A_196 = arith.constant 0 : i32
    %dma_start3A_197 = arith.constant 128 : i32
    %dma_start3A_198 = tpu.memref_slice %arg5[%select_n3A, %dma_start3A_196, %add3A_191, %dma_start3A_197] : memref<8x196x16x256xf32, #tpu.memory_space<hbm>> -> memref<1x196x1x128xf32, #tpu.memory_space<hbm>>
    %dma_start3A_199 = tpu.memref_squeeze %dma_start3A_198 : memref<1x196x1x128xf32, #tpu.memory_space<hbm>> -> memref<196x128xf32, #tpu.memory_space<hbm>>
    tpu.enqueue_dma source(%arg9 : memref<196x128xf32, #tpu.memory_space<vmem>>) target(%dma_start3A_199 : memref<196x128xf32, #tpu.memory_space<hbm>>) target_semaphore(%arg18 : memref<!tpu.dma_semaphore, #tpu.memory_space<semaphore_mem>>)
    %dma_wait3A_200 = arith.constant 0 : i32
    %dma_wait3A_201 = arith.constant 128 : i32
    %dma_wait3A_202 = tpu.memref_slice %arg5[%select_n3A, %dma_wait3A_200, %add3A_191, %dma_wait3A_201] : memref<8x196x16x256xf32, #tpu.memory_space<hbm>> -> memref<1x196x1x128xf32, #tpu.memory_space<hbm>>
    %dma_wait3A_203 = tpu.memref_squeeze %dma_wait3A_202 : memref<1x196x1x128xf32, #tpu.memory_space<hbm>> -> memref<196x128xf32, #tpu.memory_space<hbm>>
    %dma_wait3A_204 = arith.constant 0 : i32
    %dma_wait3A_205 = arith.constant 128 : i32
    %dma_wait3A_206 = tpu.memref_slice %arg5[%select_n3A, %dma_wait3A_204, %add3A_191, %dma_wait3A_205] : memref<8x196x16x256xf32, #tpu.memory_space<hbm>> -> memref<1x196x1x128xf32, #tpu.memory_space<hbm>>
    %dma_wait3A_207 = tpu.memref_squeeze %dma_wait3A_206 : memref<1x196x1x128xf32, #tpu.memory_space<hbm>> -> memref<196x128xf32, #tpu.memory_space<hbm>>
    tpu.wait_dma2 semaphore(%arg18 : memref<!tpu.dma_semaphore, #tpu.memory_space<semaphore_mem>>) src(%arg9 : memref<196x128xf32, #tpu.memory_space<vmem>>) dst(%dma_wait3A_207 : memref<196x128xf32, #tpu.memory_space<hbm>>)
    %slice3A_208 = vector.extract_strided_slice %gather3A_49 {offsets = [2], sizes = [1], strides = [1]} : vector<16xi32> to vector<1xi32>
    %squeeze3A_209 = vector.extract %slice3A_208[0] : i32 from vector<1xi32>
    %dma_start3A_210 = arith.constant 0 : i32
    %dma_start3A_211 = arith.constant 128 : i32
    %dma_start3A_212 = tpu.memref_slice %arg3[%squeeze3A_209, %dma_start3A_210, %select_n3A, %dma_start3A_211] : memref<100x196x8x256xf32, #tpu.memory_space<hbm>> -> memref<1x196x1x128xf32, #tpu.memory_space<hbm>>
    %dma_start3A_213 = tpu.memref_squeeze %dma_start3A_212 : memref<1x196x1x128xf32, #tpu.memory_space<hbm>> -> memref<196x128xf32, #tpu.memory_space<hbm>>
    %dma_start3A_214 = arith.constant 0 : i32
    %dma_start3A_215 = arith.constant 128 : i32
    %dma_start3A_216 = tpu.memref_slice %arg3[%squeeze3A_209, %dma_start3A_214, %select_n3A, %dma_start3A_215] : memref<100x196x8x256xf32, #tpu.memory_space<hbm>> -> memref<1x196x1x128xf32, #tpu.memory_space<hbm>>
    %dma_start3A_217 = tpu.memref_squeeze %dma_start3A_216 : memref<1x196x1x128xf32, #tpu.memory_space<hbm>> -> memref<196x128xf32, #tpu.memory_space<hbm>>
    tpu.enqueue_dma source(%dma_start3A_217 : memref<196x128xf32, #tpu.memory_space<hbm>>) target(%arg9 : memref<196x128xf32, #tpu.memory_space<vmem>>) target_semaphore(%arg14 : memref<!tpu.dma_semaphore, #tpu.memory_space<semaphore_mem>>)
    %dma_wait3A_218 = arith.constant 0 : i32
    %dma_wait3A_219 = arith.constant 0 : i32
    %dma_wait3A_220 = tpu.memref_slice %arg3[%squeeze3A_128, %dma_wait3A_218, %select_n3A, %dma_wait3A_219] : memref<100x196x8x256xf32, #tpu.memory_space<hbm>> -> memref<1x196x1x128xf32, #tpu.memory_space<hbm>>
    %dma_wait3A_221 = tpu.memref_squeeze %dma_wait3A_220 : memref<1x196x1x128xf32, #tpu.memory_space<hbm>> -> memref<196x128xf32, #tpu.memory_space<hbm>>
    %dma_wait3A_222 = arith.constant 0 : i32
    %dma_wait3A_223 = arith.constant 0 : i32
    %dma_wait3A_224 = tpu.memref_slice %arg3[%squeeze3A_128, %dma_wait3A_222, %select_n3A, %dma_wait3A_223] : memref<100x196x8x256xf32, #tpu.memory_space<hbm>> -> memref<1x196x1x128xf32, #tpu.memory_space<hbm>>
    %dma_wait3A_225 = tpu.memref_squeeze %dma_wait3A_224 : memref<1x196x1x128xf32, #tpu.memory_space<hbm>> -> memref<196x128xf32, #tpu.memory_space<hbm>>
    tpu.wait_dma2 semaphore(%arg15 : memref<!tpu.dma_semaphore, #tpu.memory_space<semaphore_mem>>) src(%dma_wait3A_225 : memref<196x128xf32, #tpu.memory_space<hbm>>) dst(%arg10 : memref<196x128xf32, #tpu.memory_space<vmem>>)
    %add3A_226 = arith.constant 1 : i32
    %add3A_227 = arith.addi %mul3A_34, %add3A_226 : i32
    %dma_start3A_228 = arith.constant 0 : i32
    %dma_start3A_229 = arith.constant 0 : i32
    %dma_start3A_230 = tpu.memref_slice %arg5[%select_n3A, %dma_start3A_228, %add3A_227, %dma_start3A_229] : memref<8x196x16x256xf32, #tpu.memory_space<hbm>> -> memref<1x196x1x128xf32, #tpu.memory_space<hbm>>
    %dma_start3A_231 = tpu.memref_squeeze %dma_start3A_230 : memref<1x196x1x128xf32, #tpu.memory_space<hbm>> -> memref<196x128xf32, #tpu.memory_space<hbm>>
    %dma_start3A_232 = arith.constant 0 : i32
    %dma_start3A_233 = arith.constant 0 : i32
    %dma_start3A_234 = tpu.memref_slice %arg5[%select_n3A, %dma_start3A_232, %add3A_227, %dma_start3A_233] : memref<8x196x16x256xf32, #tpu.memory_space<hbm>> -> memref<1x196x1x128xf32, #tpu.memory_space<hbm>>
    %dma_start3A_235 = tpu.memref_squeeze %dma_start3A_234 : memref<1x196x1x128xf32, #tpu.memory_space<hbm>> -> memref<196x128xf32, #tpu.memory_space<hbm>>
    tpu.enqueue_dma source(%arg10 : memref<196x128xf32, #tpu.memory_space<vmem>>) target(%dma_start3A_235 : memref<196x128xf32, #tpu.memory_space<hbm>>) target_semaphore(%arg19 : memref<!tpu.dma_semaphore, #tpu.memory_space<semaphore_mem>>)
    %dma_wait3A_236 = arith.constant 0 : i32
    %dma_wait3A_237 = arith.constant 0 : i32
    %dma_wait3A_238 = tpu.memref_slice %arg5[%select_n3A, %dma_wait3A_236, %add3A_227, %dma_wait3A_237] : memref<8x196x16x256xf32, #tpu.memory_space<hbm>> -> memref<1x196x1x128xf32, #tpu.memory_space<hbm>>
    %dma_wait3A_239 = tpu.memref_squeeze %dma_wait3A_238 : memref<1x196x1x128xf32, #tpu.memory_space<hbm>> -> memref<196x128xf32, #tpu.memory_space<hbm>>
    %dma_wait3A_240 = arith.constant 0 : i32
    %dma_wait3A_241 = arith.constant 0 : i32
    %dma_wait3A_242 = tpu.memref_slice %arg5[%select_n3A, %dma_wait3A_240, %add3A_227, %dma_wait3A_241] : memref<8x196x16x256xf32, #tpu.memory_space<hbm>> -> memref<1x196x1x128xf32, #tpu.memory_space<hbm>>
    %dma_wait3A_243 = tpu.memref_squeeze %dma_wait3A_242 : memref<1x196x1x128xf32, #tpu.memory_space<hbm>> -> memref<196x128xf32, #tpu.memory_space<hbm>>
    tpu.wait_dma2 semaphore(%arg19 : memref<!tpu.dma_semaphore, #tpu.memory_space<semaphore_mem>>) src(%arg10 : memref<196x128xf32, #tpu.memory_space<vmem>>) dst(%dma_wait3A_243 : memref<196x128xf32, #tpu.memory_space<hbm>>)
    %slice3A_244 = vector.extract_strided_slice %gather3A_49 {offsets = [3], sizes = [1], strides = [1]} : vector<16xi32> to vector<1xi32>
    %squeeze3A_245 = vector.extract %slice3A_244[0] : i32 from vector<1xi32>
    %dma_start3A_246 = arith.constant 0 : i32
    %dma_start3A_247 = arith.constant 0 : i32
    %dma_start3A_248 = tpu.memref_slice %arg3[%squeeze3A_245, %dma_start3A_246, %select_n3A, %dma_start3A_247] : memref<100x196x8x256xf32, #tpu.memory_space<hbm>> -> memref<1x196x1x128xf32, #tpu.memory_space<hbm>>
    %dma_start3A_249 = tpu.memref_squeeze %dma_start3A_248 : memref<1x196x1x128xf32, #tpu.memory_space<hbm>> -> memref<196x128xf32, #tpu.memory_space<hbm>>
    %dma_start3A_250 = arith.constant 0 : i32
    %dma_start3A_251 = arith.constant 0 : i32
    %dma_start3A_252 = tpu.memref_slice %arg3[%squeeze3A_245, %dma_start3A_250, %select_n3A, %dma_start3A_251] : memref<100x196x8x256xf32, #tpu.memory_space<hbm>> -> memref<1x196x1x128xf32, #tpu.memory_space<hbm>>
    %dma_start3A_253 = tpu.memref_squeeze %dma_start3A_252 : memref<1x196x1x128xf32, #tpu.memory_space<hbm>> -> memref<196x128xf32, #tpu.memory_space<hbm>>
    tpu.enqueue_dma source(%dma_start3A_253 : memref<196x128xf32, #tpu.memory_space<hbm>>) target(%arg10 : memref<196x128xf32, #tpu.memory_space<vmem>>) target_semaphore(%arg15 : memref<!tpu.dma_semaphore, #tpu.memory_space<semaphore_mem>>)
    %dma_wait3A_254 = arith.constant 0 : i32
    %dma_wait3A_255 = arith.constant 128 : i32
    %dma_wait3A_256 = tpu.memref_slice %arg3[%squeeze3A_138, %dma_wait3A_254, %select_n3A, %dma_wait3A_255] : memref<100x196x8x256xf32, #tpu.memory_space<hbm>> -> memref<1x196x1x128xf32, #tpu.memory_space<hbm>>
    %dma_wait3A_257 = tpu.memref_squeeze %dma_wait3A_256 : memref<1x196x1x128xf32, #tpu.memory_space<hbm>> -> memref<196x128xf32, #tpu.memory_space<hbm>>
    %dma_wait3A_258 = arith.constant 0 : i32
    %dma_wait3A_259 = arith.constant 128 : i32
    %dma_wait3A_260 = tpu.memref_slice %arg3[%squeeze3A_138, %dma_wait3A_258, %select_n3A, %dma_wait3A_259] : memref<100x196x8x256xf32, #tpu.memory_space<hbm>> -> memref<1x196x1x128xf32, #tpu.memory_space<hbm>>
    %dma_wait3A_261 = tpu.memref_squeeze %dma_wait3A_260 : memref<1x196x1x128xf32, #tpu.memory_space<hbm>> -> memref<196x128xf32, #tpu.memory_space<hbm>>
    tpu.wait_dma2 semaphore(%arg16 : memref<!tpu.dma_semaphore, #tpu.memory_space<semaphore_mem>>) src(%dma_wait3A_261 : memref<196x128xf32, #tpu.memory_space<hbm>>) dst(%arg11 : memref<196x128xf32, #tpu.memory_space<vmem>>)
    %add3A_262 = arith.constant 1 : i32
    %add3A_263 = arith.addi %mul3A_34, %add3A_262 : i32
    %dma_start3A_264 = arith.constant 0 : i32
    %dma_start3A_265 = arith.constant 128 : i32
    %dma_start3A_266 = tpu.memref_slice %arg5[%select_n3A, %dma_start3A_264, %add3A_263, %dma_start3A_265] : memref<8x196x16x256xf32, #tpu.memory_space<hbm>> -> memref<1x196x1x128xf32, #tpu.memory_space<hbm>>
    %dma_start3A_267 = tpu.memref_squeeze %dma_start3A_266 : memref<1x196x1x128xf32, #tpu.memory_space<hbm>> -> memref<196x128xf32, #tpu.memory_space<hbm>>
    %dma_start3A_268 = arith.constant 0 : i32
    %dma_start3A_269 = arith.constant 128 : i32
    %dma_start3A_270 = tpu.memref_slice %arg5[%select_n3A, %dma_start3A_268, %add3A_263, %dma_start3A_269] : memref<8x196x16x256xf32, #tpu.memory_space<hbm>> -> memref<1x196x1x128xf32, #tpu.memory_space<hbm>>
    %dma_start3A_271 = tpu.memref_squeeze %dma_start3A_270 : memref<1x196x1x128xf32, #tpu.memory_space<hbm>> -> memref<196x128xf32, #tpu.memory_space<hbm>>
    tpu.enqueue_dma source(%arg11 : memref<196x128xf32, #tpu.memory_space<vmem>>) target(%dma_start3A_271 : memref<196x128xf32, #tpu.memory_space<hbm>>) target_semaphore(%arg20 : memref<!tpu.dma_semaphore, #tpu.memory_space<semaphore_mem>>)
    %dma_wait3A_272 = arith.constant 0 : i32
    %dma_wait3A_273 = arith.constant 128 : i32
    %dma_wait3A_274 = tpu.memref_slice %arg5[%select_n3A, %dma_wait3A_272, %add3A_263, %dma_wait3A_273] : memref<8x196x16x256xf32, #tpu.memory_space<hbm>> -> memref<1x196x1x128xf32, #tpu.memory_space<hbm>>
    %dma_wait3A_275 = tpu.memref_squeeze %dma_wait3A_274 : memref<1x196x1x128xf32, #tpu.memory_space<hbm>> -> memref<196x128xf32, #tpu.memory_space<hbm>>
    %dma_wait3A_276 = arith.constant 0 : i32
    %dma_wait3A_277 = arith.constant 128 : i32
    %dma_wait3A_278 = tpu.memref_slice %arg5[%select_n3A, %dma_wait3A_276, %add3A_263, %dma_wait3A_277] : memref<8x196x16x256xf32, #tpu.memory_space<hbm>> -> memref<1x196x1x128xf32, #tpu.memory_space<hbm>>
    %dma_wait3A_279 = tpu.memref_squeeze %dma_wait3A_278 : memref<1x196x1x128xf32, #tpu.memory_space<hbm>> -> memref<196x128xf32, #tpu.memory_space<hbm>>
    tpu.wait_dma2 semaphore(%arg20 : memref<!tpu.dma_semaphore, #tpu.memory_space<semaphore_mem>>) src(%arg11 : memref<196x128xf32, #tpu.memory_space<vmem>>) dst(%dma_wait3A_279 : memref<196x128xf32, #tpu.memory_space<hbm>>)
    %slice3A_280 = vector.extract_strided_slice %gather3A_49 {offsets = [3], sizes = [1], strides = [1]} : vector<16xi32> to vector<1xi32>
    %squeeze3A_281 = vector.extract %slice3A_280[0] : i32 from vector<1xi32>
    %dma_start3A_282 = arith.constant 0 : i32
    %dma_start3A_283 = arith.constant 128 : i32
    %dma_start3A_284 = tpu.memref_slice %arg3[%squeeze3A_281, %dma_start3A_282, %select_n3A, %dma_start3A_283] : memref<100x196x8x256xf32, #tpu.memory_space<hbm>> -> memref<1x196x1x128xf32, #tpu.memory_space<hbm>>
    %dma_start3A_285 = tpu.memref_squeeze %dma_start3A_284 : memref<1x196x1x128xf32, #tpu.memory_space<hbm>> -> memref<196x128xf32, #tpu.memory_space<hbm>>
    %dma_start3A_286 = arith.constant 0 : i32
    %dma_start3A_287 = arith.constant 128 : i32
    %dma_start3A_288 = tpu.memref_slice %arg3[%squeeze3A_281, %dma_start3A_286, %select_n3A, %dma_start3A_287] : memref<100x196x8x256xf32, #tpu.memory_space<hbm>> -> memref<1x196x1x128xf32, #tpu.memory_space<hbm>>
    %dma_start3A_289 = tpu.memref_squeeze %dma_start3A_288 : memref<1x196x1x128xf32, #tpu.memory_space<hbm>> -> memref<196x128xf32, #tpu.memory_space<hbm>>
    tpu.enqueue_dma source(%dma_start3A_289 : memref<196x128xf32, #tpu.memory_space<hbm>>) target(%arg11 : memref<196x128xf32, #tpu.memory_space<vmem>>) target_semaphore(%arg16 : memref<!tpu.dma_semaphore, #tpu.memory_space<semaphore_mem>>)
    %dma_wait3A_290 = arith.constant 0 : i32
    %dma_wait3A_291 = arith.constant 0 : i32
    %dma_wait3A_292 = tpu.memref_slice %arg3[%squeeze3A_173, %dma_wait3A_290, %select_n3A, %dma_wait3A_291] : memref<100x196x8x256xf32, #tpu.memory_space<hbm>> -> memref<1x196x1x128xf32, #tpu.memory_space<hbm>>
    %dma_wait3A_293 = tpu.memref_squeeze %dma_wait3A_292 : memref<1x196x1x128xf32, #tpu.memory_space<hbm>> -> memref<196x128xf32, #tpu.memory_space<hbm>>
    %dma_wait3A_294 = arith.constant 0 : i32
    %dma_wait3A_295 = arith.constant 0 : i32
    %dma_wait3A_296 = tpu.memref_slice %arg3[%squeeze3A_173, %dma_wait3A_294, %select_n3A, %dma_wait3A_295] : memref<100x196x8x256xf32, #tpu.memory_space<hbm>> -> memref<1x196x1x128xf32, #tpu.memory_space<hbm>>
    %dma_wait3A_297 = tpu.memref_squeeze %dma_wait3A_296 : memref<1x196x1x128xf32, #tpu.memory_space<hbm>> -> memref<196x128xf32, #tpu.memory_space<hbm>>
    tpu.wait_dma2 semaphore(%arg13 : memref<!tpu.dma_semaphore, #tpu.memory_space<semaphore_mem>>) src(%dma_wait3A_297 : memref<196x128xf32, #tpu.memory_space<hbm>>) dst(%arg8 : memref<196x128xf32, #tpu.memory_space<vmem>>)
    %add3A_298 = arith.constant 2 : i32
    %add3A_299 = arith.addi %mul3A_34, %add3A_298 : i32
    %dma_start3A_300 = arith.constant 0 : i32
    %dma_start3A_301 = arith.constant 0 : i32
    %dma_start3A_302 = tpu.memref_slice %arg5[%select_n3A, %dma_start3A_300, %add3A_299, %dma_start3A_301] : memref<8x196x16x256xf32, #tpu.memory_space<hbm>> -> memref<1x196x1x128xf32, #tpu.memory_space<hbm>>
    %dma_start3A_303 = tpu.memref_squeeze %dma_start3A_302 : memref<1x196x1x128xf32, #tpu.memory_space<hbm>> -> memref<196x128xf32, #tpu.memory_space<hbm>>
    %dma_start3A_304 = arith.constant 0 : i32
    %dma_start3A_305 = arith.constant 0 : i32
    %dma_start3A_306 = tpu.memref_slice %arg5[%select_n3A, %dma_start3A_304, %add3A_299, %dma_start3A_305] : memref<8x196x16x256xf32, #tpu.memory_space<hbm>> -> memref<1x196x1x128xf32, #tpu.memory_space<hbm>>
    %dma_start3A_307 = tpu.memref_squeeze %dma_start3A_306 : memref<1x196x1x128xf32, #tpu.memory_space<hbm>> -> memref<196x128xf32, #tpu.memory_space<hbm>>
    tpu.enqueue_dma source(%arg8 : memref<196x128xf32, #tpu.memory_space<vmem>>) target(%dma_start3A_307 : memref<196x128xf32, #tpu.memory_space<hbm>>) target_semaphore(%arg17 : memref<!tpu.dma_semaphore, #tpu.memory_space<semaphore_mem>>)
    %dma_wait3A_308 = arith.constant 0 : i32
    %dma_wait3A_309 = arith.constant 128 : i32
    %dma_wait3A_310 = tpu.memref_slice %arg3[%squeeze3A_209, %dma_wait3A_308, %select_n3A, %dma_wait3A_309] : memref<100x196x8x256xf32, #tpu.memory_space<hbm>> -> memref<1x196x1x128xf32, #tpu.memory_space<hbm>>
    %dma_wait3A_311 = tpu.memref_squeeze %dma_wait3A_310 : memref<1x196x1x128xf32, #tpu.memory_space<hbm>> -> memref<196x128xf32, #tpu.memory_space<hbm>>
    %dma_wait3A_312 = arith.constant 0 : i32
    %dma_wait3A_313 = arith.constant 128 : i32
    %dma_wait3A_314 = tpu.memref_slice %arg3[%squeeze3A_209, %dma_wait3A_312, %select_n3A, %dma_wait3A_313] : memref<100x196x8x256xf32, #tpu.memory_space<hbm>> -> memref<1x196x1x128xf32, #tpu.memory_space<hbm>>
    %dma_wait3A_315 = tpu.memref_squeeze %dma_wait3A_314 : memref<1x196x1x128xf32, #tpu.memory_space<hbm>> -> memref<196x128xf32, #tpu.memory_space<hbm>>
    tpu.wait_dma2 semaphore(%arg14 : memref<!tpu.dma_semaphore, #tpu.memory_space<semaphore_mem>>) src(%dma_wait3A_315 : memref<196x128xf32, #tpu.memory_space<hbm>>) dst(%arg9 : memref<196x128xf32, #tpu.memory_space<vmem>>)
    %add3A_316 = arith.constant 2 : i32
    %add3A_317 = arith.addi %mul3A_34, %add3A_316 : i32
    %dma_start3A_318 = arith.constant 0 : i32
    %dma_start3A_319 = arith.constant 128 : i32
    %dma_start3A_320 = tpu.memref_slice %arg5[%select_n3A, %dma_start3A_318, %add3A_317, %dma_start3A_319] : memref<8x196x16x256xf32, #tpu.memory_space<hbm>> -> memref<1x196x1x128xf32, #tpu.memory_space<hbm>>
    %dma_start3A_321 = tpu.memref_squeeze %dma_start3A_320 : memref<1x196x1x128xf32, #tpu.memory_space<hbm>> -> memref<196x128xf32, #tpu.memory_space<hbm>>
    %dma_start3A_322 = arith.constant 0 : i32
    %dma_start3A_323 = arith.constant 128 : i32
    %dma_start3A_324 = tpu.memref_slice %arg5[%select_n3A, %dma_start3A_322, %add3A_317, %dma_start3A_323] : memref<8x196x16x256xf32, #tpu.memory_space<hbm>> -> memref<1x196x1x128xf32, #tpu.memory_space<hbm>>
    %dma_start3A_325 = tpu.memref_squeeze %dma_start3A_324 : memref<1x196x1x128xf32, #tpu.memory_space<hbm>> -> memref<196x128xf32, #tpu.memory_space<hbm>>
    tpu.enqueue_dma source(%arg9 : memref<196x128xf32, #tpu.memory_space<vmem>>) target(%dma_start3A_325 : memref<196x128xf32, #tpu.memory_space<hbm>>) target_semaphore(%arg18 : memref<!tpu.dma_semaphore, #tpu.memory_space<semaphore_mem>>)
    %dma_wait3A_326 = arith.constant 0 : i32
    %dma_wait3A_327 = arith.constant 0 : i32
    %dma_wait3A_328 = tpu.memref_slice %arg3[%squeeze3A_245, %dma_wait3A_326, %select_n3A, %dma_wait3A_327] : memref<100x196x8x256xf32, #tpu.memory_space<hbm>> -> memref<1x196x1x128xf32, #tpu.memory_space<hbm>>
    %dma_wait3A_329 = tpu.memref_squeeze %dma_wait3A_328 : memref<1x196x1x128xf32, #tpu.memory_space<hbm>> -> memref<196x128xf32, #tpu.memory_space<hbm>>
    %dma_wait3A_330 = arith.constant 0 : i32
    %dma_wait3A_331 = arith.constant 0 : i32
    %dma_wait3A_332 = tpu.memref_slice %arg3[%squeeze3A_245, %dma_wait3A_330, %select_n3A, %dma_wait3A_331] : memref<100x196x8x256xf32, #tpu.memory_space<hbm>> -> memref<1x196x1x128xf32, #tpu.memory_space<hbm>>
    %dma_wait3A_333 = tpu.memref_squeeze %dma_wait3A_332 : memref<1x196x1x128xf32, #tpu.memory_space<hbm>> -> memref<196x128xf32, #tpu.memory_space<hbm>>
    tpu.wait_dma2 semaphore(%arg15 : memref<!tpu.dma_semaphore, #tpu.memory_space<semaphore_mem>>) src(%dma_wait3A_333 : memref<196x128xf32, #tpu.memory_space<hbm>>) dst(%arg10 : memref<196x128xf32, #tpu.memory_space<vmem>>)
    %add3A_334 = arith.constant 3 : i32
    %add3A_335 = arith.addi %mul3A_34, %add3A_334 : i32
    %dma_start3A_336 = arith.constant 0 : i32
    %dma_start3A_337 = arith.constant 0 : i32
    %dma_start3A_338 = tpu.memref_slice %arg5[%select_n3A, %dma_start3A_336, %add3A_335, %dma_start3A_337] : memref<8x196x16x256xf32, #tpu.memory_space<hbm>> -> memref<1x196x1x128xf32, #tpu.memory_space<hbm>>
    %dma_start3A_339 = tpu.memref_squeeze %dma_start3A_338 : memref<1x196x1x128xf32, #tpu.memory_space<hbm>> -> memref<196x128xf32, #tpu.memory_space<hbm>>
    %dma_start3A_340 = arith.constant 0 : i32
    %dma_start3A_341 = arith.constant 0 : i32
    %dma_start3A_342 = tpu.memref_slice %arg5[%select_n3A, %dma_start3A_340, %add3A_335, %dma_start3A_341] : memref<8x196x16x256xf32, #tpu.memory_space<hbm>> -> memref<1x196x1x128xf32, #tpu.memory_space<hbm>>
    %dma_start3A_343 = tpu.memref_squeeze %dma_start3A_342 : memref<1x196x1x128xf32, #tpu.memory_space<hbm>> -> memref<196x128xf32, #tpu.memory_space<hbm>>
    tpu.enqueue_dma source(%arg10 : memref<196x128xf32, #tpu.memory_space<vmem>>) target(%dma_start3A_343 : memref<196x128xf32, #tpu.memory_space<hbm>>) target_semaphore(%arg19 : memref<!tpu.dma_semaphore, #tpu.memory_space<semaphore_mem>>)
    %dma_wait3A_344 = arith.constant 0 : i32
    %dma_wait3A_345 = arith.constant 128 : i32
    %dma_wait3A_346 = tpu.memref_slice %arg3[%squeeze3A_281, %dma_wait3A_344, %select_n3A, %dma_wait3A_345] : memref<100x196x8x256xf32, #tpu.memory_space<hbm>> -> memref<1x196x1x128xf32, #tpu.memory_space<hbm>>
    %dma_wait3A_347 = tpu.memref_squeeze %dma_wait3A_346 : memref<1x196x1x128xf32, #tpu.memory_space<hbm>> -> memref<196x128xf32, #tpu.memory_space<hbm>>
    %dma_wait3A_348 = arith.constant 0 : i32
    %dma_wait3A_349 = arith.constant 128 : i32
    %dma_wait3A_350 = tpu.memref_slice %arg3[%squeeze3A_281, %dma_wait3A_348, %select_n3A, %dma_wait3A_349] : memref<100x196x8x256xf32, #tpu.memory_space<hbm>> -> memref<1x196x1x128xf32, #tpu.memory_space<hbm>>
    %dma_wait3A_351 = tpu.memref_squeeze %dma_wait3A_350 : memref<1x196x1x128xf32, #tpu.memory_space<hbm>> -> memref<196x128xf32, #tpu.memory_space<hbm>>
    tpu.wait_dma2 semaphore(%arg16 : memref<!tpu.dma_semaphore, #tpu.memory_space<semaphore_mem>>) src(%dma_wait3A_351 : memref<196x128xf32, #tpu.memory_space<hbm>>) dst(%arg11 : memref<196x128xf32, #tpu.memory_space<vmem>>)
    %add3A_352 = arith.constant 3 : i32
    %add3A_353 = arith.addi %mul3A_34, %add3A_352 : i32
    %dma_start3A_354 = arith.constant 0 : i32
    %dma_start3A_355 = arith.constant 128 : i32
    %dma_start3A_356 = tpu.memref_slice %arg5[%select_n3A, %dma_start3A_354, %add3A_353, %dma_start3A_355] : memref<8x196x16x256xf32, #tpu.memory_space<hbm>> -> memref<1x196x1x128xf32, #tpu.memory_space<hbm>>
    %dma_start3A_357 = tpu.memref_squeeze %dma_start3A_356 : memref<1x196x1x128xf32, #tpu.memory_space<hbm>> -> memref<196x128xf32, #tpu.memory_space<hbm>>
    %dma_start3A_358 = arith.constant 0 : i32
    %dma_start3A_359 = arith.constant 128 : i32
    %dma_start3A_360 = tpu.memref_slice %arg5[%select_n3A, %dma_start3A_358, %add3A_353, %dma_start3A_359] : memref<8x196x16x256xf32, #tpu.memory_space<hbm>> -> memref<1x196x1x128xf32, #tpu.memory_space<hbm>>
    %dma_start3A_361 = tpu.memref_squeeze %dma_start3A_360 : memref<1x196x1x128xf32, #tpu.memory_space<hbm>> -> memref<196x128xf32, #tpu.memory_space<hbm>>
    tpu.enqueue_dma source(%arg11 : memref<196x128xf32, #tpu.memory_space<vmem>>) target(%dma_start3A_361 : memref<196x128xf32, #tpu.memory_space<hbm>>) target_semaphore(%arg20 : memref<!tpu.dma_semaphore, #tpu.memory_space<semaphore_mem>>)
    %dma_wait3A_362 = arith.constant 0 : i32
    %dma_wait3A_363 = arith.constant 0 : i32
    %dma_wait3A_364 = tpu.memref_slice %arg5[%select_n3A, %dma_wait3A_362, %add3A_299, %dma_wait3A_363] : memref<8x196x16x256xf32, #tpu.memory_space<hbm>> -> memref<1x196x1x128xf32, #tpu.memory_space<hbm>>
    %dma_wait3A_365 = tpu.memref_squeeze %dma_wait3A_364 : memref<1x196x1x128xf32, #tpu.memory_space<hbm>> -> memref<196x128xf32, #tpu.memory_space<hbm>>
    %dma_wait3A_366 = arith.constant 0 : i32
    %dma_wait3A_367 = arith.constant 0 : i32
    %dma_wait3A_368 = tpu.memref_slice %arg5[%select_n3A, %dma_wait3A_366, %add3A_299, %dma_wait3A_367] : memref<8x196x16x256xf32, #tpu.memory_space<hbm>> -> memref<1x196x1x128xf32, #tpu.memory_space<hbm>>
    %dma_wait3A_369 = tpu.memref_squeeze %dma_wait3A_368 : memref<1x196x1x128xf32, #tpu.memory_space<hbm>> -> memref<196x128xf32, #tpu.memory_space<hbm>>
    tpu.wait_dma2 semaphore(%arg17 : memref<!tpu.dma_semaphore, #tpu.memory_space<semaphore_mem>>) src(%arg8 : memref<196x128xf32, #tpu.memory_space<vmem>>) dst(%dma_wait3A_369 : memref<196x128xf32, #tpu.memory_space<hbm>>)
    %dma_wait3A_370 = arith.constant 0 : i32
    %dma_wait3A_371 = arith.constant 128 : i32
    %dma_wait3A_372 = tpu.memref_slice %arg5[%select_n3A, %dma_wait3A_370, %add3A_317, %dma_wait3A_371] : memref<8x196x16x256xf32, #tpu.memory_space<hbm>> -> memref<1x196x1x128xf32, #tpu.memory_space<hbm>>
    %dma_wait3A_373 = tpu.memref_squeeze %dma_wait3A_372 : memref<1x196x1x128xf32, #tpu.memory_space<hbm>> -> memref<196x128xf32, #tpu.memory_space<hbm>>
    %dma_wait3A_374 = arith.constant 0 : i32
    %dma_wait3A_375 = arith.constant 128 : i32
    %dma_wait3A_376 = tpu.memref_slice %arg5[%select_n3A, %dma_wait3A_374, %add3A_317, %dma_wait3A_375] : memref<8x196x16x256xf32, #tpu.memory_space<hbm>> -> memref<1x196x1x128xf32, #tpu.memory_space<hbm>>
    %dma_wait3A_377 = tpu.memref_squeeze %dma_wait3A_376 : memref<1x196x1x128xf32, #tpu.memory_space<hbm>> -> memref<196x128xf32, #tpu.memory_space<hbm>>
    tpu.wait_dma2 semaphore(%arg18 : memref<!tpu.dma_semaphore, #tpu.memory_space<semaphore_mem>>) src(%arg9 : memref<196x128xf32, #tpu.memory_space<vmem>>) dst(%dma_wait3A_377 : memref<196x128xf32, #tpu.memory_space<hbm>>)
    %dma_wait3A_378 = arith.constant 0 : i32
    %dma_wait3A_379 = arith.constant 0 : i32
    %dma_wait3A_380 = tpu.memref_slice %arg5[%select_n3A, %dma_wait3A_378, %add3A_335, %dma_wait3A_379] : memref<8x196x16x256xf32, #tpu.memory_space<hbm>> -> memref<1x196x1x128xf32, #tpu.memory_space<hbm>>
    %dma_wait3A_381 = tpu.memref_squeeze %dma_wait3A_380 : memref<1x196x1x128xf32, #tpu.memory_space<hbm>> -> memref<196x128xf32, #tpu.memory_space<hbm>>
    %dma_wait3A_382 = arith.constant 0 : i32
    %dma_wait3A_383 = arith.constant 0 : i32
    %dma_wait3A_384 = tpu.memref_slice %arg5[%select_n3A, %dma_wait3A_382, %add3A_335, %dma_wait3A_383] : memref<8x196x16x256xf32, #tpu.memory_space<hbm>> -> memref<1x196x1x128xf32, #tpu.memory_space<hbm>>
    %dma_wait3A_385 = tpu.memref_squeeze %dma_wait3A_384 : memref<1x196x1x128xf32, #tpu.memory_space<hbm>> -> memref<196x128xf32, #tpu.memory_space<hbm>>
    tpu.wait_dma2 semaphore(%arg19 : memref<!tpu.dma_semaphore, #tpu.memory_space<semaphore_mem>>) src(%arg10 : memref<196x128xf32, #tpu.memory_space<vmem>>) dst(%dma_wait3A_385 : memref<196x128xf32, #tpu.memory_space<hbm>>)
    %dma_wait3A_386 = arith.constant 0 : i32
    %dma_wait3A_387 = arith.constant 128 : i32
    %dma_wait3A_388 = tpu.memref_slice %arg5[%select_n3A, %dma_wait3A_386, %add3A_353, %dma_wait3A_387] : memref<8x196x16x256xf32, #tpu.memory_space<hbm>> -> memref<1x196x1x128xf32, #tpu.memory_space<hbm>>
    %dma_wait3A_389 = tpu.memref_squeeze %dma_wait3A_388 : memref<1x196x1x128xf32, #tpu.memory_space<hbm>> -> memref<196x128xf32, #tpu.memory_space<hbm>>
    %dma_wait3A_390 = arith.constant 0 : i32
    %dma_wait3A_391 = arith.constant 128 : i32
    %dma_wait3A_392 = tpu.memref_slice %arg5[%select_n3A, %dma_wait3A_390, %add3A_353, %dma_wait3A_391] : memref<8x196x16x256xf32, #tpu.memory_space<hbm>> -> memref<1x196x1x128xf32, #tpu.memory_space<hbm>>
    %dma_wait3A_393 = tpu.memref_squeeze %dma_wait3A_392 : memref<1x196x1x128xf32, #tpu.memory_space<hbm>> -> memref<196x128xf32, #tpu.memory_space<hbm>>
    tpu.wait_dma2 semaphore(%arg20 : memref<!tpu.dma_semaphore, #tpu.memory_space<semaphore_mem>>) src(%arg11 : memref<196x128xf32, #tpu.memory_space<vmem>>) dst(%dma_wait3A_393 : memref<196x128xf32, #tpu.memory_space<hbm>>)
    %dma_wait3A_394 = arith.constant 0 : i32
    %dma_wait3A_395 = arith.constant 0 : i32
    %dma_wait3A_396 = tpu.memref_slice %arg12[%dma_wait3A_394, %dma_wait3A_395] : memref<4x256xf32, #tpu.memory_space<vmem>> -> memref<1x256xf32, #tpu.memory_space<vmem>>
    %dma_wait3A_397 = tpu.memref_squeeze %dma_wait3A_396 : memref<1x256xf32, #tpu.memory_space<vmem>> -> memref<256xf32, #tpu.memory_space<vmem>>
    %dma_wait3A_398 = arith.constant 0 : i32
    %dma_wait3A_399 = tpu.memref_slice %arg4[%squeeze3A, %select_n3A, %dma_wait3A_398] : memref<100x8x256xf32, #tpu.memory_space<hbm>> -> memref<1x1x256xf32, #tpu.memory_space<hbm>>
    %dma_wait3A_400 = tpu.memref_squeeze %dma_wait3A_399 : memref<1x1x256xf32, #tpu.memory_space<hbm>> -> memref<256xf32, #tpu.memory_space<hbm>>
    %dma_wait3A_401 = arith.constant 0 : i32
    %dma_wait3A_402 = tpu.memref_slice %arg12[%dma_wait3A_394, %dma_wait3A_401] : memref<4x256xf32, #tpu.memory_space<vmem>> -> memref<1x256xf32, #tpu.memory_space<vmem>>
    %dma_wait3A_403 = tpu.memref_squeeze %dma_wait3A_402 : memref<1x256xf32, #tpu.memory_space<vmem>> -> memref<256xf32, #tpu.memory_space<vmem>>
    %dma_wait3A_404 = arith.constant 0 : i32
    %dma_wait3A_405 = tpu.memref_slice %arg4[%squeeze3A, %select_n3A, %dma_wait3A_404] : memref<100x8x256xf32, #tpu.memory_space<hbm>> -> memref<1x1x256xf32, #tpu.memory_space<hbm>>
    %dma_wait3A_406 = tpu.memref_squeeze %dma_wait3A_405 : memref<1x1x256xf32, #tpu.memory_space<hbm>> -> memref<256xf32, #tpu.memory_space<hbm>>
    tpu.wait_dma2 semaphore(%arg21 : memref<!tpu.dma_semaphore, #tpu.memory_space<semaphore_mem>>) src(%dma_wait3A_406 : memref<256xf32, #tpu.memory_space<hbm>>) dst(%dma_wait3A_403 : memref<256xf32, #tpu.memory_space<vmem>>)
    %dma_wait3A_407 = arith.constant 1 : i32
    %dma_wait3A_408 = arith.constant 0 : i32
    %dma_wait3A_409 = tpu.memref_slice %arg12[%dma_wait3A_407, %dma_wait3A_408] : memref<4x256xf32, #tpu.memory_space<vmem>> -> memref<1x256xf32, #tpu.memory_space<vmem>>
    %dma_wait3A_410 = tpu.memref_squeeze %dma_wait3A_409 : memref<1x256xf32, #tpu.memory_space<vmem>> -> memref<256xf32, #tpu.memory_space<vmem>>
    %dma_wait3A_411 = arith.constant 0 : i32
    %dma_wait3A_412 = tpu.memref_slice %arg4[%squeeze3A_63, %select_n3A, %dma_wait3A_411] : memref<100x8x256xf32, #tpu.memory_space<hbm>> -> memref<1x1x256xf32, #tpu.memory_space<hbm>>
    %dma_wait3A_413 = tpu.memref_squeeze %dma_wait3A_412 : memref<1x1x256xf32, #tpu.memory_space<hbm>> -> memref<256xf32, #tpu.memory_space<hbm>>
    %dma_wait3A_414 = arith.constant 0 : i32
    %dma_wait3A_415 = tpu.memref_slice %arg12[%dma_wait3A_407, %dma_wait3A_414] : memref<4x256xf32, #tpu.memory_space<vmem>> -> memref<1x256xf32, #tpu.memory_space<vmem>>
    %dma_wait3A_416 = tpu.memref_squeeze %dma_wait3A_415 : memref<1x256xf32, #tpu.memory_space<vmem>> -> memref<256xf32, #tpu.memory_space<vmem>>
    %dma_wait3A_417 = arith.constant 0 : i32
    %dma_wait3A_418 = tpu.memref_slice %arg4[%squeeze3A_63, %select_n3A, %dma_wait3A_417] : memref<100x8x256xf32, #tpu.memory_space<hbm>> -> memref<1x1x256xf32, #tpu.memory_space<hbm>>
    %dma_wait3A_419 = tpu.memref_squeeze %dma_wait3A_418 : memref<1x1x256xf32, #tpu.memory_space<hbm>> -> memref<256xf32, #tpu.memory_space<hbm>>
    tpu.wait_dma2 semaphore(%arg21 : memref<!tpu.dma_semaphore, #tpu.memory_space<semaphore_mem>>) src(%dma_wait3A_419 : memref<256xf32, #tpu.memory_space<hbm>>) dst(%dma_wait3A_416 : memref<256xf32, #tpu.memory_space<vmem>>)
    %dma_wait3A_420 = arith.constant 2 : i32
    %dma_wait3A_421 = arith.constant 0 : i32
    %dma_wait3A_422 = tpu.memref_slice %arg12[%dma_wait3A_420, %dma_wait3A_421] : memref<4x256xf32, #tpu.memory_space<vmem>> -> memref<1x256xf32, #tpu.memory_space<vmem>>
    %dma_wait3A_423 = tpu.memref_squeeze %dma_wait3A_422 : memref<1x256xf32, #tpu.memory_space<vmem>> -> memref<256xf32, #tpu.memory_space<vmem>>
    %dma_wait3A_424 = arith.constant 0 : i32
    %dma_wait3A_425 = tpu.memref_slice %arg4[%squeeze3A_78, %select_n3A, %dma_wait3A_424] : memref<100x8x256xf32, #tpu.memory_space<hbm>> -> memref<1x1x256xf32, #tpu.memory_space<hbm>>
    %dma_wait3A_426 = tpu.memref_squeeze %dma_wait3A_425 : memref<1x1x256xf32, #tpu.memory_space<hbm>> -> memref<256xf32, #tpu.memory_space<hbm>>
    %dma_wait3A_427 = arith.constant 0 : i32
    %dma_wait3A_428 = tpu.memref_slice %arg12[%dma_wait3A_420, %dma_wait3A_427] : memref<4x256xf32, #tpu.memory_space<vmem>> -> memref<1x256xf32, #tpu.memory_space<vmem>>
    %dma_wait3A_429 = tpu.memref_squeeze %dma_wait3A_428 : memref<1x256xf32, #tpu.memory_space<vmem>> -> memref<256xf32, #tpu.memory_space<vmem>>
    %dma_wait3A_430 = arith.constant 0 : i32
    %dma_wait3A_431 = tpu.memref_slice %arg4[%squeeze3A_78, %select_n3A, %dma_wait3A_430] : memref<100x8x256xf32, #tpu.memory_space<hbm>> -> memref<1x1x256xf32, #tpu.memory_space<hbm>>
    %dma_wait3A_432 = tpu.memref_squeeze %dma_wait3A_431 : memref<1x1x256xf32, #tpu.memory_space<hbm>> -> memref<256xf32, #tpu.memory_space<hbm>>
    tpu.wait_dma2 semaphore(%arg21 : memref<!tpu.dma_semaphore, #tpu.memory_space<semaphore_mem>>) src(%dma_wait3A_432 : memref<256xf32, #tpu.memory_space<hbm>>) dst(%dma_wait3A_429 : memref<256xf32, #tpu.memory_space<vmem>>)
    %dma_wait3A_433 = arith.constant 3 : i32
    %dma_wait3A_434 = arith.constant 0 : i32
    %dma_wait3A_435 = tpu.memref_slice %arg12[%dma_wait3A_433, %dma_wait3A_434] : memref<4x256xf32, #tpu.memory_space<vmem>> -> memref<1x256xf32, #tpu.memory_space<vmem>>
    %dma_wait3A_436 = tpu.memref_squeeze %dma_wait3A_435 : memref<1x256xf32, #tpu.memory_space<vmem>> -> memref<256xf32, #tpu.memory_space<vmem>>
    %dma_wait3A_437 = arith.constant 0 : i32
    %dma_wait3A_438 = tpu.memref_slice %arg4[%squeeze3A_93, %select_n3A, %dma_wait3A_437] : memref<100x8x256xf32, #tpu.memory_space<hbm>> -> memref<1x1x256xf32, #tpu.memory_space<hbm>>
    %dma_wait3A_439 = tpu.memref_squeeze %dma_wait3A_438 : memref<1x1x256xf32, #tpu.memory_space<hbm>> -> memref<256xf32, #tpu.memory_space<hbm>>
    %dma_wait3A_440 = arith.constant 0 : i32
    %dma_wait3A_441 = tpu.memref_slice %arg12[%dma_wait3A_433, %dma_wait3A_440] : memref<4x256xf32, #tpu.memory_space<vmem>> -> memref<1x256xf32, #tpu.memory_space<vmem>>
    %dma_wait3A_442 = tpu.memref_squeeze %dma_wait3A_441 : memref<1x256xf32, #tpu.memory_space<vmem>> -> memref<256xf32, #tpu.memory_space<vmem>>
    %dma_wait3A_443 = arith.constant 0 : i32
    %dma_wait3A_444 = tpu.memref_slice %arg4[%squeeze3A_93, %select_n3A, %dma_wait3A_443] : memref<100x8x256xf32, #tpu.memory_space<hbm>> -> memref<1x1x256xf32, #tpu.memory_space<hbm>>
    %dma_wait3A_445 = tpu.memref_squeeze %dma_wait3A_444 : memref<1x1x256xf32, #tpu.memory_space<hbm>> -> memref<256xf32, #tpu.memory_space<hbm>>
    tpu.wait_dma2 semaphore(%arg21 : memref<!tpu.dma_semaphore, #tpu.memory_space<semaphore_mem>>) src(%dma_wait3A_445 : memref<256xf32, #tpu.memory_space<hbm>>) dst(%dma_wait3A_442 : memref<256xf32, #tpu.memory_space<vmem>>)
    "tpu.region"() ({
      %run_scoped3A = tpu.sem_alloc : memref<!tpu.dma_semaphore, #tpu.memory_space<semaphore_mem>>
      %dma_start3A_446 = arith.constant 0 : i32
      %dma_start3A_447 = tpu.memref_slice %arg6[%mul3A_2, %dma_start3A_446] : memref<128x256xf32, #tpu.memory_space<hbm>> -> memref<4x256xf32, #tpu.memory_space<hbm>>
      %dma_start3A_448 = arith.constant 0 : i32
      %dma_start3A_449 = tpu.memref_slice %arg6[%mul3A_2, %dma_start3A_448] : memref<128x256xf32, #tpu.memory_space<hbm>> -> memref<4x256xf32, #tpu.memory_space<hbm>>
      tpu.enqueue_dma source(%arg12 : memref<4x256xf32, #tpu.memory_space<vmem>>) target(%dma_start3A_449 : memref<4x256xf32, #tpu.memory_space<hbm>>) target_semaphore(%run_scoped3A : memref<!tpu.dma_semaphore, #tpu.memory_space<semaphore_mem>>)
      %dma_wait3A_450 = arith.constant 0 : i32
      %dma_wait3A_451 = tpu.memref_slice %arg6[%mul3A_2, %dma_wait3A_450] : memref<128x256xf32, #tpu.memory_space<hbm>> -> memref<4x256xf32, #tpu.memory_space<hbm>>
      %dma_wait3A_452 = arith.constant 0 : i32
      %dma_wait3A_453 = tpu.memref_slice %arg6[%mul3A_2, %dma_wait3A_452] : memref<128x256xf32, #tpu.memory_space<hbm>> -> memref<4x256xf32, #tpu.memory_space<hbm>>
      tpu.wait_dma2 semaphore(%run_scoped3A : memref<!tpu.dma_semaphore, #tpu.memory_space<semaphore_mem>>) src(%arg12 : memref<4x256xf32, #tpu.memory_space<vmem>>) dst(%dma_wait3A_453 : memref<4x256xf32, #tpu.memory_space<hbm>>)
      tpu.yield
    }) : () -> ()
    return
  }
}

</mosaic_0001>

<sc_bundles>
// kernel: kernel.3.cloned.1.call-start
scs
__scs_entry_jumppad:
0x0: {  	(pc) =	sbr.rel $0x88, $3  }
0x1: {  	(tag) =	ssettag $0x0;
	lr =	simm.s32 $0x1  }
0x2: {  	[smem:$0x3F9E] =	sst lr;
	_ =	strace $0xD0000000  }
0x3: {  	_ = 	snop  }
0x4: {  	_ = 	snop  }
0x5: {  	_ = 	snop  }
0x6: {  	_ = 	snop  }
0x7: {  	_ = 	snop  }
__scs_overlays_trampoline_lowered:
0x8: {  	[smem:$0x3FAD] =	sst s0  }
0x9: {  	[smem:$0x3FAE] =	sst s1  }
0xa: {  	[smem:$0x3FAF] =	sst s2  }
0xb: {  	[smem:$0x3FB0] =	sst s3  }
0xc: {  	[smem:$0x3FB1] =	sst s4  }
0xd: {  	[smem:$0x3FB2] =	sst s5  }
0xe: {  	[smem:$0x3FB3] =	sst s6  }
0xf: {  	[smem:$0x3FB4] =	sst s7  }
0x10: {  	[smem:$0x3FB5] =	sst s8  }
0x11: {  	[smem:$0x3FB6] =	sst s9;
	s0 =	simm.s32 @!p0 $0x0  }
0x12: {  	s1 =	sld [smem:$0x3F9C];
	s0 =	simm.s32 @p0 $0x1  }
0x13: {  	[smem:$0x3FB7] =	sst s0;
	s0 =	simm.s32 @!p1 $0x0  }
0x14: {  	s2 =	sld [smem:$0x3F9B];
	s0 =	simm.s32 @p1 $0x1  }
0x15: {  	[smem:$0x3FB8] =	sst s0;
	s0 =	simm.s32 @!p2 $0x0  }
0x16: {  	s3 =	sld [smem:$0x3FDB];
	s0 =	simm.s32 @p2 $0x1  }
0x17: {  	s4 =	simm.s32 $0x1BF5;
	[smem:$0x3FBA] =	sst s0  }
0x18: {  	s0 =	sld [smem:$0x3F9D];
	_ =	swait.ge [sflag:s4], $0x0  }
0x19: {  	s7 =	sld [smem:$0x3F9E]  }
0x1a: {  	s8 =	sadd.s32 $0xFFFFE003, lr  }
0x1b: {  	s9 =	sadd.s32 $0xFFFFFEF7, lr;
	s5 =	simm.s32 $0xFFFFFFFF;
	p2 =	slt.u32 s8, $0xFFFFF086  }
0x1c: {  	p1 =	slt.u32 s9, $0xF7A;
	s5 =	simm.s32 @!p2 $0x0  }
0x1d: {  	s5 =	simm.s32 @p1 $0x1;
	p0 =	seq.s32 s7, s2  }
0x1e: {  	s7 =	smul.u32 @!p0 $0xF7A, s2;
	p2 =	seq.s32 @!p0 s5, $0x0  }
0x1f: {  	s9 =	smul.u32 $0xF7A, s1;
	s8 =	simm.s32 @!p0 $0x1BF5;
	p2 =	por !p2, p0  }
0x20: {  	[sflag:s8] =	ssyncset.s32 @!p0 $0xFFFFF086;
	s6 =	sadd.s32 @!p0 s3, s7;
	s7 =	simm.s32 @!p0 $0x108  }
0x21: {  	s3 =	sadd.s32 s3, s9;
	s6 =	sadd.s32 @!p0 $0x88, s6;
	s7 =	simm.s32 @p2 $0x1082  }
0x22: {  	[simem:s7], [sflag:s8] =	dma.local @!p0 [hbm:s6], $0xF7A  }
0x23: {  	s9 =	sor.u32 $0xD0000000, s2;
	s6 =	simm.s32 $0x108;
	_ =	swait.ge @!p0 [sflag:s8], $0x0  }
0x24: {  	s3 =	sadd.s32 $0x88, s3;
	s6 =	simm.s32 @!p1 $0x1082;
	[sflag:s4] =	ssyncset.s32 $0xFFFFF086  }
0x25: {  	[simem:s6], [sflag:s4] =	dma.local [hbm:s3], $0xF7A  }
0x26: {  	[smem:$0x3F9E] =	sst s1;
	(tag) =	ssettag s2;
	_ =	strace s9  }
0x27: {  	s1 =	sld [smem:$0x3FAE]  }
0x28: {  	s2 =	sld [smem:$0x3FAF]  }
0x29: {  	s4 =	sld [smem:$0x3FB1]  }
0x2a: {  	p0 =	seq.s32 s5, $0x0;
	s5 =	sld [smem:$0x3FB2]  }
0x2b: {  	s6 =	sld [smem:$0x3FB3]  }
0x2c: {  	s7 =	sld [smem:$0x3FB4]  }
0x2d: {  	s3 =	simm.s32 $0x108;
	s8 =	sld [smem:$0x3FB5]  }
0x2e: {  	s3 =	simm.s32 @!p0 $0x1082;
	s9 =	sld [smem:$0x3FB6]  }
0x2f: {  	lr =	sadd.s32 s0, s3;
	s0 =	sld [smem:$0x3FAD]  }
0x30: {  	s3 =	sld [smem:$0x3FB0]  }
0x31: {  	[smem:$0x3FB9] =	sst s10  }
0x32: {  	s10 =	sld [smem:$0x3FB7];
	_ =	sdelay $0x3  }
0x33: {  	p0 =	seq.s32 s10, $0x1;
	s10 =	sld [smem:$0x3FB9];
	_ =	sdelay $0x3  }
0x34: {  	[smem:$0x3FB9] =	sst s10  }
0x35: {  	s10 =	sld [smem:$0x3FB8];
	_ =	sdelay $0x3  }
0x36: {  	p1 =	seq.s32 s10, $0x1;
	s10 =	sld [smem:$0x3FB9];
	_ =	sdelay $0x3  }
0x37: {  	[smem:$0x3FB9] =	sst s10  }
0x38: {  	s10 =	sld [smem:$0x3FBA]  }
0x39: {  	_ = 	snop;
	(pc) =	sbr.ind lr, $3  }
0x3a: {  	_ = 	snop  }
0x3b: {  	_ = 	snop  }
0x3c: {  	p2 =	seq.s32 s10, $0x1;
	s10 =	sld [smem:$0x3FB9]  }
0x3d: {  	_ =	shalt  }
0x3e: {  	_ =	shalt  }
0x3f: {  	_ =	shalt  }
0x40: {  	_ =	shalt  }
0x41: {  	_ =	shalt  }
0x42: {  	_ =	shalt  }
0x43: {  	_ =	shalt  }
0x44: {  	_ =	shalt  }
0x45: {  	_ =	shalt  }
0x46: {  	_ =	shalt  }
0x47: {  	_ =	shalt  }
0x48: {  	_ =	shalt  }
0x49: {  	_ =	shalt  }
0x4a: {  	_ =	shalt  }
0x4b: {  	_ =	shalt  }
0x4c: {  	_ =	shalt  }
0x4d: {  	_ =	shalt  }
0x4e: {  	_ =	shalt  }
0x4f: {  	_ =	shalt  }
0x50: {  	_ =	shalt  }
0x51: {  	_ =	shalt  }
0x52: {  	_ =	shalt  }
0x53: {  	_ =	shalt  }
0x54: {  	_ =	shalt  }
0x55: {  	_ =	shalt  }
0x56: {  	_ =	shalt  }
0x57: {  	_ =	shalt  }
0x58: {  	_ =	shalt  }
0x59: {  	_ =	shalt  }
0x5a: {  	_ =	shalt  }
0x5b: {  	_ =	shalt  }
0x5c: {  	_ =	shalt  }
0x5d: {  	_ =	shalt  }
0x5e: {  	_ =	shalt  }
0x5f: {  	_ =	shalt  }
0x60: {  	_ =	shalt  }
0x61: {  	_ =	shalt  }
0x62: {  	_ =	shalt  }
0x63: {  	_ =	shalt  }
0x64: {  	_ =	shalt  }
0x65: {  	_ =	shalt  }
0x66: {  	_ =	shalt  }
0x67: {  	_ =	shalt  }
0x68: {  	_ =	shalt  }
0x69: {  	_ =	shalt  }
0x6a: {  	_ =	shalt  }
0x6b: {  	_ =	shalt  }
0x6c: {  	_ =	shalt  }
0x6d: {  	_ =	shalt  }
0x6e: {  	_ =	shalt  }
0x6f: {  	_ =	shalt  }
0x70: {  	_ =	shalt  }
0x71: {  	_ =	shalt  }
0x72: {  	_ =	shalt  }
0x73: {  	_ =	shalt  }
0x74: {  	_ =	shalt  }
0x75: {  	_ =	shalt  }
0x76: {  	_ =	shalt  }
0x77: {  	_ =	shalt  }
0x78: {  	_ =	shalt  }
0x79: {  	_ =	shalt  }
0x7a: {  	_ =	shalt  }
0x7b: {  	_ =	shalt  }
0x7c: {  	_ =	shalt  }
0x7d: {  	_ =	shalt  }
0x7e: {  	_ =	shalt  }
0x7f: {  	_ =	shalt  }
0x80: {  	_ =	shalt  }
0x81: {  	_ =	shalt  }
0x82: {  	_ =	shalt  }
0x83: {  	_ =	shalt  }
0x84: {  	_ =	shalt  }
0x85: {  	_ =	shalt  }
0x86: {  	_ =	shalt  }
0x87: {  	_ =	shalt  }
.Lfunc_end0:
.L_simem_size_0:
called_computation_lowered:
.L_overlay_start_0:
0x88: {  	s2 =	sld [smem:$0x3FD9]  }
0x89: {  	s3 =	sld [smem:$0x3FFE];
	_ =	sdelay $0x1  }
0x8a: {  	s1 =	srdreg.scid  }
0x8b: {  	s0 =	sand.u32 $0x1, s1  }
0x8c: {  	s15 =	sshll.u32 s0, $0xA;
	s2 =	sadd.s32 s3, s2  }
0x8d: {  	s2 =	sadd.s32 s2, s15  }
0x8e: {  	[smem:$0x3FC5] =	sst s2  }
0x8f: {  	_ = 	snop  }
0x90: {  	s2 =	sld [smem:$0x3FD0]  }
0x91: {  	s16 =	sld [smem:$0x3FC9]  }
0x92: {  	s4 =	sld [smem:$0x3FC8]  }
0x93: {  	s6 =	simm.s32 $0xA;
	s7 =	simm.s32 $0x10;
	s5 =	sld [smem:$0x3FC7]  }
0x94: {  	[smem:s7], [sflag:s6] =	dma.local [hbm:s2], $0x1  }
0x95: {  	_ =	swait.eq [sflag:s6], $0x1  }
0x96: {  	[sflag:s6] =	ssyncset.done $0x0  }
0x97: {  	s17 =	sld [smem:$0x10];
	[sflag:s6] =	ssyncadd.s32 $0xFFFFFFFF  }
0x98: {  	s18 =	sld [smem:$0x11];
	(tm) =	ssettm $0x1  }
0x99: {  	s19 =	sld [smem:$0x3FFB];
	_ =	sdelay $0x3  }
0x9a: {  	_ =	strace s19  }
0x9b: {  	s7 =	sld [smem:$0x3FFC];
	_ =	sdelay $0x3  }
0x9c: {  	_ =	strace s7  }
0x9d: {  	s7 =	sld [smem:$0x3FFD];
	_ =	sdelay $0x3  }
0x9e: {  	_ =	strace s7  }
0x9f: {  	_ =	strace $0x8FFFFFFF  }
0xa0: {  	s20 =	sld [smem:$0x3FDB];
	_ =	sdelay $0x1  }
0xa1: {  	s8 =	simm.s32 $_scs_section_size  }
0xa2: {  	s9 =	simm.s32 $_size__tile_overlayer_lowered;
	s10 =	simm.s32 $_tile_overlayer_lowered  }
0xa3: {  	s23 =	simm.s32 $0x1BFF;
	s22 =	sshll.u32 s10, $0x1;
	s7 =	sadd.s32 s8, s20  }
0xa4: {  	s11 =	simm.s32 $0x0;
	s21 =	sshll.u32 s9, $0x1;
	s9 =	sadd.s32 s22, s7  }
0xa5: {  	[timem:s11], [sflag:s23] =	dma.local [hbm:s9], s21  }
0xa6: {  	_ =	swait.ge [sflag:s23], s21  }
0xa7: {  	s8 =	ssub.s32 $0x0, s21;
	[sflag:s23] =	ssyncset.done $0x0  }
0xa8: {  	[sflag:s23] =	ssyncadd.s32 s8;
	_ =	sdelay $0x1  }
0xa9: {  	s24 =	simm.s32 $0x1B8B  }
0xaa: {  	_ =	swait.ge [sflag:s24], $0x1  }
0xab: {  	[sflag:s24] =	ssyncset.done $0x0  }
0xac: {  	s25 =	simm.s32 $0x1B8E;
	[sflag:s24] =	ssyncadd.s32 $0xFFFFFFFF  }
0xad: {  	s26 =	simm.s32 $execute0_lowered;
	[smem:$0x3FD2] =	sst s25  }
0xae: {  	s8 =	sshll.u32 s26, $0x1;
	_ =	strace $0x80000046;
	[dreg:$0x1] =	wrdreg $0xFFFFFFFF  }
0xaf: {  	s28 =	simm.s32 $_size_execute0_lowered;
	s7 =	sadd.s32 s7, s8;
	[dreg:$0x0] =	wrdreg $0x0  }
0xb0: {  	s8 =	sshll.u32 s28, $0x1;
	[dreg:$0x2] =	wrdreg s7  }
0xb1: {  	[dreg:$0x3] =	wrdreg s8  }
0xb2: {  	[dreg:$0x4] =	wrdreg $0xC0  }
0xb3: {  	_ =	task [dreg:s11], $0x5FFFF  }
0xb4: {  	[dreg:$0x1] =	wrdreg $0xFFFFFFFF  }
0xb5: {  	[dreg:$0x0] =	wrdreg $0x60  }
0xb6: {  	[dreg:$0x2] =	wrdreg s16  }
0xb7: {  	[dreg:$0x3] =	wrdreg s4  }
0xb8: {  	[dreg:$0x4] =	wrdreg s5  }
0xb9: {  	[dreg:$0x5] =	wrdreg s17  }
0xba: {  	[dreg:$0x6] =	wrdreg s18  }
0xbb: {  	[dreg:$0x7] =	wrdreg $0x9  }
0xbc: {  	_ =	task.clear_ibuf [dreg:s11], $0x8FFFF;
	_ =	strace $0x90000046  }
0xbd: {  	s29 =	simm.s32 $0x9;
	_ =	strace $0x80000048  }
0xbe: {  	_ =	swait.ge [sflag:s29], $0x1  }
0xbf: {  	[sflag:s29] =	ssyncadd.s32 $0xFFFFFFFF  }
0xc0: {  	_ =	strace $0x90000048  }
0xc1: {  	_ =	sfence  }
0xc2: {  	s30 =	sld [smem:$0x0];
	_ =	sdelay $0x2  }
0xc3: {  	s31 =	sshll.u32 s1, $0xD;
	s1 =	sshrl.u32 s1, $0x2  }
0xc4: {  	s3 =	sand.u32 $0x4000, s31;
	s1 =	sadd.s32 s1, s30  }
0xc5: {  	s0 =	sor.u32 s3, s0;
	s1 =	sshll.u32 s1, $0x11  }
0xc6: {  	s0 =	sor.u32 s1, s0  }
0xc7: {  	s0 =	sadd.s32 $0x8F2B, s0  }
0xc8: {  	[sflag:s0] =	ssyncadd.remote.s32 $0x1  }
0xc9: {  	_ =	sfence.sel $0xFFFF  }
0xca: {  	[dreg:$0x0] =	wrdreg $0xFFFFFFFF;
	(pc) =	sbr.abs _section_cstart, $3  }
0xcb: {  	[dreg:$0x1] =	wrdreg $0xFFFFFFFF  }
0xcc: {  	_ =	task.clear_ibuf [dreg:s11], $0x2FFFF;
	_ =	strace $0x9FFFFFFF  }
0xcd: {  	(tm) =	ssettm $0x7FFFFFFF  }
tec
execute0_lowered:
.L_overlay_start_1:
0x0: {  	(tag) =	ssettag $0x1  }
0x1: {  	s0 =	rddreg [dreg:$0x0]  }
0x2: {  	s30 =	rddreg [dreg:$0x1]  }
0x3: {  	s14 =	rddreg [dreg:$0x2]  }
0x4: {  	s15 =	stileid.u32;
	s3 =	rddreg [dreg:$0x3]  }
0x5: {  	s1 =	srdreg.scid;
	s8 =	rddreg [dreg:$0x4];
	s20 =	simm.s32 $0x0  }
0x6: {  	s13 =	simm.s32 $0x19600;
	s31 =	simm.s32 $0x13000;
	p0 =	por $0x0, $0x0  }
0x7: {  	[dreg:$0x6] =	wrdreg s0;
	s4 =	sshll.u32 s15, $0x1;
	s5 =	sand.u32 $0x1, s1  }
0x8: {  	s6 =	sshrl.u32 s15, $0x1;
	s18 =	sshll.u32 s15, $0xB;
	[smem:$0x7FF] =	sst s20  }
0x9: {  	s11 =	sadd.s32 $0x80, s3;
	s2 =	sshll.u32 s15, $0x8;
	s17 =	sand.u32 $0x2, s4  }
0xa: {  	s7 =	smul.u32 $0xC4000, s6;
	s9 =	sand.u32 $0x800, s18;
	s0 =	sshll.u32 s5, $0x6  }
0xb: {  	s18 =	simm.s32 $0x19480;
	s4 =	sor.u32 s5, s17;
	s17 =	rddreg [dreg:$0x5]  }
0xc: {  	_ =	strace $0x80000047;
	s5 =	ssub.s32 $0x2, s5;
	[dreg:$0x11] =	wrdreg s13  }
0xd: {  	[dreg:$0x12] =	wrdreg s18;
	s13 =	simm.s32 $0x1000;
	s18 =	simm.s32 $0x4  }
0xe: {  	s10 =	sshll.u32 s4, $0x9;
	s7 =	sor.u32 s9, s7;
	s16 =	sshrl.u32 s5, $0x1  }
0xf: {  	s19 =	sand.u32 $0x200, s10;
	s5 =	ssub.s32 s5, s16;
	s16 =	sadd.s32 $0x80, s30  }
0x10: {  	s9 =	sor.u32 s7, s19;
	s7 =	sor.u32 s7, s10;
	s10 =	sshll.u32 s6, $0x9  }
0x11: {  	s19 =	simm.s32 $0x19680;
	s9 =	sshrl.u32 s9, $0x3;
	s7 =	sshrl.u32 s7, $0x3  }
0x12: {  	s12 =	sshrl.u32 s10, $0x2;
	[dreg:$0x13] =	wrdreg s19;
	s10 =	simm.s32 $0x6800  }
0x13: {  	s19 =	simm.s32 $0x3;
	s21 =	sadd.s32 s3, s9;
	s7 =	sor.u32 $0x80, s7  }
0x14: {  	s22 =	sor.u32 $0x10, s9;
	s25 =	sor.u32 $0x20, s9;
	[dreg:$0x10] =	wrdreg s12  }
0x15: {  	s9 =	sor.u32 $0x30, s9;
	[dreg:$0x7] =	wrdreg s21;
	s7 =	sadd.s32 s3, s7  }
0x16: {  	s12 =	sshll.u32 s4, $0x2;
	s23 =	sadd.s32 s3, s22;
	[dreg:$0x8] =	wrdreg s7  }
0x17: {  	s4 =	simm.s32 $0xCC00;
	s24 =	sadd.s32 s22, s11;
	[dreg:$0x9] =	wrdreg s23  }
0x18: {  	s26 =	sadd.s32 s3, s25;
	s29 =	sadd.s32 s25, s11;
	[dreg:$0xa] =	wrdreg s24  }
0x19: {  	s3 =	sadd.s32 s3, s9;
	s1 =	sadd.s32 s9, s11;
	[dreg:$0xb] =	wrdreg s26  }
0x1a: {  	s21 =	simm.s32 $0x19500;
	s22 =	simm.s32 $0x19700;
	[dreg:$0xc] =	wrdreg s29  }
0x1b: {  	v0 =	vlaneseq.u32;
	s25 =	smax.u32 s5, $0x1;
	s5 =	simm.s32 $0x19400;
	[dreg:$0xd] =	wrdreg s3  }
0x1c: {  	s9 =	simm.s32 $0x7;
	v0 =	vadd.s32 s12, v0;
	s12 =	simm.s32 $0x8;
	[dreg:$0xe] =	wrdreg s1  }
0x1d: {  	s7 =	sadd.s32 s8, s0;
	s24 =	sshll.u32 s6, $0x7;
	[dreg:$0x14] =	wrdreg s21  }
0x1e: {  	[dreg:$0x15] =	wrdreg s22;
	s23 =	simm.s32 $0x19580;
	s26 =	simm.s32 $0x19780  }
0x1f: {  	s3 =	simm.s32 $0xA;
	s22 =	simm.s32 $0x800;
	p1 =	sne.s32 s25, $0x1  }
.Ltmp0:
0x20: {  	s21 =	simm.s32 $0x2;
	s8 =	simm.s32 $0x6;
	(pc) =	sbr.rel @!p1 .LBB2_5-.Ltmp0, $4  }
0x21: {  	s29 =	simm.s32 $0x200;
	s6 =	simm.s32 $0x9;
	[dreg:$0x16] =	wrdreg s23  }
0x22: {  	s25 =	sadd.s32 $0xFFFFFFFF, s25;
	s11 =	sadd.s32 s2, s7;
	[dreg:$0x17] =	wrdreg s26  }
0x23: {  	s7 =	simm.s32 $0x80;
	s2 =	simm.s32 $0x400;
	[dreg:$0x18] =	wrdreg s29  }
0x24: {  	v0 =	vmin.u32 v0, $0xF;
	s23 =	simm.s32 $0x1;
	[dreg:$0xf] =	wrdreg s11;
	s11 =	simm.s32 $0x5  }
0x25: {  	s26 =	rddreg [dreg:$0x6]  }
0x26: {  	[tilespmem:s20], [sflag:$0xA] =	stream.linear.gather [hbm4b:s26+s20], $0x400, $0x38;
	[tilespmem:$0x19800] =	vst v63  }
0x27: {  	_ =	swait.ge [sflag:s3], $0x400  }
0x28: {  	[sflag:s3] =	ssyncset.done $0x0  }
0x29: {  	s15 =	rddreg [dreg:$0x10];
	[sflag:s3] =	ssyncadd.s32 $0xFFFFFC00  }
0x2a: {  	v1 =	vld [tilespmem:s15+$0x0];
	_ =	sdelay $0x4  }
0x2b: {  	v1 =	vperm.xlane v1, v0;
	_ =	sdelay $0x1  }
0x2c: {  	(v2sf) =	vpush v1, $0x0;
	_ =	sdelay $0x2  }
0x2d: {  	(v2sf) =	vpush v1, $0x1;
	_ =	sdelay $0x2  }
0x2e: {  	(v2sf) =	vpush v1, $0x2;
	_ =	sdelay $0x6  }
0x2f: {  	(v2sf) =	vpush v1, $0x3;
	_ =	sdelay $0x1  }
0x30: {  	s26 =	spop (v2sf)  }
0x31: {  	s28 =	sshll.u32 s26, $0xB  }
0x32: {  	s28 =	sor.u32 s24, s28  }
0x33: {  	s30 =	spop (v2sf);
	s28 =	sshrl.u32 s28, $0x3  }
0x34: {  	s29 =	rddreg [dreg:$0x11];
	s1 =	sshll.u32 s30, $0xB;
	s28 =	sadd.s32 s14, s28  }
0x35: {  	[tilespmem:s5], [sflag:$0x9] =	stream.linear.gather [hbm4b:s28+s20], $0x80, $0x38;
	[tilespmem:$0x19800] =	vst v63  }
0x36: {  	s0 =	spop (v2sf);
	s1 =	sor.u32 s24, s1;
	s28 =	sadd.s32 $0x80, s28  }
0x37: {  	[tilespmem:s29], [sflag:$0x9] =	stream.linear.gather [hbm4b:s28+s20], $0x80, $0x38;
	[tilespmem:$0x19800] =	vst v63  }
0x38: {  	s1 =	sshrl.u32 s1, $0x3;
	s28 =	sshll.u32 s0, $0xB  }
0x39: {  	s31 =	rddreg [dreg:$0x12];
	s1 =	sadd.s32 s14, s1;
	s28 =	sor.u32 s24, s28  }
0x3a: {  	[tilespmem:s31], [sflag:$0x9] =	stream.linear.gather [hbm4b:s1+s20], $0x80, $0x38;
	[tilespmem:$0x19800] =	vst v63  }
0x3b: {  	s17 =	rddreg [dreg:$0x13];
	s28 =	sshrl.u32 s28, $0x3;
	s1 =	sadd.s32 $0x80, s1  }
0x3c: {  	[tilespmem:s17], [sflag:$0x9] =	stream.linear.gather [hbm4b:s1+s20], $0x80, $0x38;
	[tilespmem:$0x19800] =	vst v63  }
0x3d: {  	s29 =	spop (v2sf);
	s31 =	rddreg [dreg:$0x14];
	s28 =	sadd.s32 s14, s28  }
0x3e: {  	[tilespmem:s31], [sflag:$0x9] =	stream.linear.gather [hbm4b:s28+s20], $0x80, $0x38;
	[tilespmem:$0x19800] =	vst v63  }
0x3f: {  	s15 =	rddreg [dreg:$0x15];
	s31 =	sshll.u32 s29, $0xB;
	s28 =	sadd.s32 $0x80, s28  }
0x40: {  	[tilespmem:s15], [sflag:$0x9] =	stream.linear.gather [hbm4b:s28+s20], $0x80, $0x38;
	[tilespmem:$0x19800] =	vst v63  }
0x41: {  	s17 =	rddreg [dreg:$0x16];
	s28 =	sor.u32 s24, s31;
	s15 =	smul.u32 $0x62000, s26  }
0x42: {  	s31 =	rddreg [dreg:$0x17];
	s28 =	sshrl.u32 s28, $0x3  }
0x43: {  	s28 =	sadd.s32 s14, s28;
	s1 =	sor.u32 s24, s15;
	s15 =	smul.u32 $0x62000, s30  }
0x44: {  	[tilespmem:s17], [sflag:$0x9] =	stream.linear.gather [hbm4b:s28+s20], $0x80, $0x38;
	[tilespmem:$0x19800] =	vst v63  }
0x45: {  	s30 =	rddreg [dreg:$0x1];
	s17 =	sadd.s32 $0x80, s28;
	s1 =	sshrl.u32 s1, $0x3  }
0x46: {  	[tilespmem:s31], [sflag:$0x9] =	stream.linear.gather [hbm4b:s17+s20], $0x80, $0x38;
	[tilespmem:$0x19800] =	vst v63  }
0x47: {  	s28 =	sadd.s32 s30, s1;
	s26 =	sor.u32 s24, s15  }
0x48: {  	[tilespmem:s2], [sflag:$0x1] =	stream.strided.gather [hbm4b:s28+s7], $0x6200, s22, s7, $0x38;
	[tilespmem:$0x19800] =	vst v63  }
0x49: {  	s1 =	sadd.s32 s1, s16;
	s26 =	sshrl.u32 s26, $0x3  }
0x4a: {  	[tilespmem:s10], [sflag:$0x2] =	stream.strided.gather [hbm4b:s1+s7], $0x6200, s22, s7, $0x38;
	[tilespmem:$0x19800] =	vst v63  }
0x4b: {  	s17 =	sadd.s32 s30, s26  }
0x4c: {  	[tilespmem:s4], [sflag:$0x3] =	stream.strided.gather [hbm4b:s17+s7], $0x6200, s22, s7, $0x38;
	[tilespmem:$0x19800] =	vst v63  }
0x4d: {  	s31 =	simm.s32 $0x13000;
	s26 =	sadd.s32 s26, s16  }
0x4e: {  	[tilespmem:s31], [sflag:$0x4] =	stream.strided.gather [hbm4b:s26+s7], $0x6200, s22, s7, $0x38;
	[tilespmem:$0x19800] =	vst v63  }
0x4f: {  	_ =	swait.ge [sflag:s23], $0x6200  }
0x50: {  	[sflag:s23] =	ssyncset.done $0x0  }
0x51: {  	s0 =	smul.u32 $0x62000, s0;
	s15 =	rddreg [dreg:$0x7];
	[sflag:s23] =	ssyncadd.s32 $0xFFFF9E00  }
0x52: {  	[hbm4b:s15+s7] =	stream.strided.scatter [tilespmem:s2], [sflag:$0x5], $0x6200, s13, s7, $0x38;
	[tilespmem:$0x19800] =	vst v63  }
0x53: {  	s0 =	sor.u32 s24, s0;
	_ =	swait.ge [sflag:s11], $0x6200  }
0x54: {  	s0 =	sshrl.u32 s0, $0x3;
	[sflag:s11] =	ssyncset.done $0x0  }
0x55: {  	s17 =	sadd.s32 s30, s0;
	[sflag:s11] =	ssyncadd.s32 $0xFFFF9E00  }
0x56: {  	[tilespmem:s2], [sflag:$0x1] =	stream.strided.gather [hbm4b:s17+s7], $0x6200, s22, s7, $0x38;
	[tilespmem:$0x19800] =	vst v63  }
0x57: {  	_ =	swait.ge [sflag:s21], $0x6200  }
0x58: {  	[sflag:s21] =	ssyncset.done $0x0  }
0x59: {  	s26 =	rddreg [dreg:$0x8];
	[sflag:s21] =	ssyncadd.s32 $0xFFFF9E00  }
0x5a: {  	[hbm4b:s26+s7] =	stream.strided.scatter [tilespmem:s10], [sflag:$0x6], $0x6200, s13, s7, $0x38;
	[tilespmem:$0x19800] =	vst v63  }
0x5b: {  	_ =	swait.ge [sflag:s8], $0x6200  }
0x5c: {  	[sflag:s8] =	ssyncset.done $0x0  }
0x5d: {  	s0 =	sadd.s32 s0, s16;
	[sflag:s8] =	ssyncadd.s32 $0xFFFF9E00  }
0x5e: {  	[tilespmem:s10], [sflag:$0x2] =	stream.strided.gather [hbm4b:s0+s7], $0x6200, s22, s7, $0x38;
	[tilespmem:$0x19800] =	vst v63  }
0x5f: {  	_ =	swait.ge [sflag:s19], $0x6200  }
0x60: {  	[sflag:s19] =	ssyncset.done $0x0  }
0x61: {  	s15 =	smul.u32 $0x62000, s29;
	s1 =	rddreg [dreg:$0x9];
	[sflag:s19] =	ssyncadd.s32 $0xFFFF9E00  }
0x62: {  	[hbm4b:s1+s7] =	stream.strided.scatter [tilespmem:s4], [sflag:$0x7], $0x6200, s13, s7, $0x38;
	[tilespmem:$0x19800] =	vst v63  }
0x63: {  	s17 =	sor.u32 s24, s15;
	_ =	swait.ge [sflag:s9], $0x6200  }
0x64: {  	s0 =	sshrl.u32 s17, $0x3;
	[sflag:s9] =	ssyncset.done $0x0  }
0x65: {  	s26 =	sadd.s32 s30, s0;
	[sflag:s9] =	ssyncadd.s32 $0xFFFF9E00  }
0x66: {  	[tilespmem:s4], [sflag:$0x3] =	stream.strided.gather [hbm4b:s26+s7], $0x6200, s22, s7, $0x38;
	[tilespmem:$0x19800] =	vst v63  }
0x67: {  	_ =	swait.ge [sflag:s18], $0x6200  }
0x68: {  	[sflag:s18] =	ssyncset.done $0x0  }
0x69: {  	s29 =	rddreg [dreg:$0xa];
	[sflag:s18] =	ssyncadd.s32 $0xFFFF9E00  }
0x6a: {  	[hbm4b:s29+s7] =	stream.strided.scatter [tilespmem:s31], [sflag:$0x8], $0x6200, s13, s7, $0x38;
	[tilespmem:$0x19800] =	vst v63  }
0x6b: {  	_ =	swait.ge [sflag:s12], $0x6200  }
0x6c: {  	[sflag:s12] =	ssyncset.done $0x0  }
0x6d: {  	s0 =	sadd.s32 s0, s16;
	[sflag:s12] =	ssyncadd.s32 $0xFFFF9E00  }
0x6e: {  	[tilespmem:s31], [sflag:$0x4] =	stream.strided.gather [hbm4b:s0+s7], $0x6200, s22, s7, $0x38;
	[tilespmem:$0x19800] =	vst v63  }
0x6f: {  	_ =	swait.ge [sflag:s23], $0x6200  }
0x70: {  	[sflag:s23] =	ssyncset.done $0x0  }
0x71: {  	s15 =	rddreg [dreg:$0xb];
	[sflag:s23] =	ssyncadd.s32 $0xFFFF9E00  }
0x72: {  	[hbm4b:s15+s7] =	stream.strided.scatter [tilespmem:s2], [sflag:$0x5], $0x6200, s13, s7, $0x38;
	[tilespmem:$0x19800] =	vst v63  }
0x73: {  	_ =	swait.ge [sflag:s21], $0x6200  }
0x74: {  	[sflag:s21] =	ssyncset.done $0x0  }
0x75: {  	s17 =	rddreg [dreg:$0xc];
	[sflag:s21] =	ssyncadd.s32 $0xFFFF9E00  }
0x76: {  	[hbm4b:s17+s7] =	stream.strided.scatter [tilespmem:s10], [sflag:$0x6], $0x6200, s13, s7, $0x38;
	[tilespmem:$0x19800] =	vst v63  }
0x77: {  	_ =	swait.ge [sflag:s19], $0x6200  }
0x78: {  	[sflag:s19] =	ssyncset.done $0x0  }
0x79: {  	s26 =	rddreg [dreg:$0xd];
	[sflag:s19] =	ssyncadd.s32 $0xFFFF9E00  }
0x7a: {  	[hbm4b:s26+s7] =	stream.strided.scatter [tilespmem:s4], [sflag:$0x7], $0x6200, s13, s7, $0x38;
	[tilespmem:$0x19800] =	vst v63  }
0x7b: {  	_ =	swait.ge [sflag:s18], $0x6200  }
0x7c: {  	[sflag:s18] =	ssyncset.done $0x0  }
0x7d: {  	s29 =	rddreg [dreg:$0xe];
	[sflag:s18] =	ssyncadd.s32 $0xFFFF9E00  }
0x7e: {  	[hbm4b:s29+s7] =	stream.strided.scatter [tilespmem:s31], [sflag:$0x8], $0x6200, s13, s7, $0x38;
	[tilespmem:$0x19800] =	vst v63  }
0x7f: {  	_ =	swait.ge [sflag:s11], $0x6200  }
0x80: {  	[sflag:s11] =	ssyncset.done $0x0  }
0x81: {  	[sflag:s11] =	ssyncadd.s32 $0xFFFF9E00  }
0x82: {  	_ =	swait.ge [sflag:s8], $0x6200  }
0x83: {  	[sflag:s8] =	ssyncset.done $0x0  }
0x84: {  	[sflag:s8] =	ssyncadd.s32 $0xFFFF9E00  }
0x85: {  	_ =	swait.ge [sflag:s9], $0x6200  }
0x86: {  	[sflag:s9] =	ssyncset.done $0x0  }
0x87: {  	[sflag:s9] =	ssyncadd.s32 $0xFFFF9E00  }
0x88: {  	_ =	swait.ge [sflag:s12], $0x6200  }
0x89: {  	[sflag:s12] =	ssyncset.done $0x0  }
0x8a: {  	[sflag:s12] =	ssyncadd.s32 $0xFFFF9E00  }
0x8b: {  	_ =	swait.ge [sflag:s6], $0x100  }
0x8c: {  	[sflag:s6] =	ssyncset.done $0x0  }
0x8d: {  	[sflag:s6] =	ssyncadd.s32 $0xFFFFFF00  }
0x8e: {  	_ =	swait.ge [sflag:s6], $0x100  }
0x8f: {  	[sflag:s6] =	ssyncset.done $0x0  }
0x90: {  	[sflag:s6] =	ssyncadd.s32 $0xFFFFFF00  }
0x91: {  	p1 =	sne.s32 s25, $0x1;
	_ =	swait.ge [sflag:s6], $0x100  }
.Ltmp1:
0x92: {  	[sflag:s6] =	ssyncset.done $0x0;
	(pc) =	sbr.rel @!p1 .LBB2_2-.Ltmp1, $4  }
0x93: {  	[sflag:s6] =	ssyncadd.s32 $0xFFFFFF00  }
0x94: {  	_ =	swait.ge [sflag:s6], $0x100  }
0x95: {  	s25 =	sadd.s32 $0xFFFFFFFF, s25;
	[sflag:s6] =	ssyncset.done $0x0;
	s26 =	rddreg [dreg:$0xf]  }
0x96: {  	p0 =	por $0x1, $0x1;
	s28 =	rddreg [dreg:$0x18];
	[sflag:s6] =	ssyncadd.s32 $0xFFFFFF00  }
.LBB2_3:
0x97: {  	[hbm4b:s26+s28] =	stream.strided.scatter [tilespmem:s5], [sflag:$0xA], $0x400, s2, s28, $0x38;
	[tilespmem:$0x19800] =	vst v63  }
0x98: {  	_ =	swait.ge [sflag:s3], $0x400  }
0x99: {  	[sflag:s3] =	ssyncset.done $0x0  }
0x9a: {  	s0 =	rddreg [dreg:$0x6];
	[sflag:s3] =	ssyncadd.s32 $0xFFFFFC00  }
0x9b: {  	[tilespmem:s20], [sflag:$0xA] =	stream.linear.gather [hbm4b:s0+s20], $0x400, $0x38;
	[tilespmem:$0x19800] =	vst v63  }
0x9c: {  	_ =	swait.ge [sflag:s3], $0x400  }
0x9d: {  	[sflag:s3] =	ssyncset.done $0x0  }
0x9e: {  	s15 =	rddreg [dreg:$0x10];
	[sflag:s3] =	ssyncadd.s32 $0xFFFFFC00  }
0x9f: {  	v1 =	vld [tilespmem:s15+$0x0];
	_ =	sdelay $0x4  }
0xa0: {  	v1 =	vperm.xlane v1, v0;
	_ =	sdelay $0x1  }
0xa1: {  	(v2sf) =	vpush v1, $0x0;
	_ =	sdelay $0x1  }
0xa2: {  	(v2sf) =	vpush v1, $0x1;
	_ =	sdelay $0x1  }
0xa3: {  	(v2sf) =	vpush v1, $0x2;
	_ =	sdelay $0x3  }
0xa4: {  	(v2sf) =	vpush v1, $0x3;
	_ =	sdelay $0x2  }
0xa5: {  	s26 =	rddreg [dreg:$0x17]  }
0xa6: {  	s28 =	rddreg [dreg:$0x16]  }
0xa7: {  	s0 =	rddreg [dreg:$0x15]  }
0xa8: {  	s1 =	rddreg [dreg:$0x14]  }
0xa9: {  	s29 =	rddreg [dreg:$0x11];
	s4 =	spop (v2sf)  }
0xaa: {  	s30 =	rddreg [dreg:$0x13];
	s17 =	sshll.u32 s4, $0xB  }
0xab: {  	s31 =	rddreg [dreg:$0x12];
	s10 =	spop (v2sf);
	s2 =	sor.u32 s24, s17  }
0xac: {  	s3 =	simm.s32 $0x400;
	s17 =	sshll.u32 s10, $0xB;
	s2 =	sshrl.u32 s2, $0x3  }
0xad: {  	s15 =	spop (v2sf);
	s8 =	sor.u32 s24, s17;
	s2 =	sadd.s32 s14, s2  }
0xae: {  	[tilespmem:s5], [sflag:$0x9] =	stream.linear.gather [hbm4b:s2+s20], $0x80, $0x38;
	[tilespmem:$0x19800] =	vst v63  }
0xaf: {  	s17 =	sshll.u32 s15, $0xB;
	s8 =	sshrl.u32 s8, $0x3;
	s2 =	sadd.s32 $0x80, s2  }
0xb0: {  	[tilespmem:s29], [sflag:$0x9] =	stream.linear.gather [hbm4b:s2+s20], $0x80, $0x38;
	[tilespmem:$0x19800] =	vst v63  }
0xb1: {  	s17 =	sor.u32 s24, s17;
	s5 =	spop (v2sf);
	s8 =	sadd.s32 s14, s8  }
0xb2: {  	[tilespmem:s31], [sflag:$0x9] =	stream.linear.gather [hbm4b:s8+s20], $0x80, $0x38;
	[tilespmem:$0x19800] =	vst v63  }
0xb3: {  	s17 =	sshrl.u32 s17, $0x3;
	s29 =	sshll.u32 s5, $0xB;
	s2 =	sadd.s32 $0x80, s8  }
0xb4: {  	[tilespmem:s30], [sflag:$0x9] =	stream.linear.gather [hbm4b:s2+s20], $0x80, $0x38;
	[tilespmem:$0x19800] =	vst v63  }
0xb5: {  	s4 =	smul.u32 $0x62000, s4;
	s8 =	sor.u32 s24, s29;
	s29 =	sadd.s32 s14, s17  }
0xb6: {  	[tilespmem:s1], [sflag:$0x9] =	stream.linear.gather [hbm4b:s29+s20], $0x80, $0x38;
	[tilespmem:$0x19800] =	vst v63  }
0xb7: {  	s10 =	smul.u32 $0x62000, s10;
	s8 =	sshrl.u32 s8, $0x3;
	s2 =	sadd.s32 $0x80, s29  }
0xb8: {  	[tilespmem:s0], [sflag:$0x9] =	stream.linear.gather [hbm4b:s2+s20], $0x80, $0x38;
	[tilespmem:$0x19800] =	vst v63  }
0xb9: {  	s4 =	sor.u32 s24, s4;
	s15 =	smul.u32 $0x62000, s15;
	s17 =	sadd.s32 s14, s8  }
0xba: {  	[tilespmem:s28], [sflag:$0x9] =	stream.linear.gather [hbm4b:s17+s20], $0x80, $0x38;
	[tilespmem:$0x19800] =	vst v63  }
0xbb: {  	s4 =	sshrl.u32 s4, $0x3;
	s30 =	rddreg [dreg:$0x1];
	s0 =	sadd.s32 $0x80, s17  }
0xbc: {  	[tilespmem:s26], [sflag:$0x9] =	stream.linear.gather [hbm4b:s0+s20], $0x80, $0x38;
	[tilespmem:$0x19800] =	vst v63  }
0xbd: {  	s10 =	sor.u32 s24, s10;
	s29 =	sor.u32 s24, s15;
	s15 =	sadd.s32 s30, s4  }
0xbe: {  	[tilespmem:s3], [sflag:$0x1] =	stream.strided.gather [hbm4b:s15+s7], $0x6200, s22, s7, $0x38;
	[tilespmem:$0x19800] =	vst v63  }
0xbf: {  	s1 =	sshrl.u32 s10, $0x3;
	s10 =	simm.s32 $0x6800;
	s17 =	sadd.s32 s4, s16  }
0xc0: {  	[tilespmem:s10], [sflag:$0x2] =	stream.strided.gather [hbm4b:s17+s7], $0x6200, s22, s7, $0x38;
	[tilespmem:$0x19800] =	vst v63  }
0xc1: {  	s2 =	sshrl.u32 s29, $0x3;
	s29 =	sadd.s32 s30, s1;
	s4 =	simm.s32 $0xCC00  }
0xc2: {  	[tilespmem:s4], [sflag:$0x3] =	stream.strided.gather [hbm4b:s29+s7], $0x6200, s22, s7, $0x38;
	[tilespmem:$0x19800] =	vst v63  }
0xc3: {  	s31 =	simm.s32 $0x13000;
	s1 =	sadd.s32 s1, s16  }
0xc4: {  	[tilespmem:s31], [sflag:$0x4] =	stream.strided.gather [hbm4b:s1+s7], $0x6200, s22, s7, $0x38;
	[tilespmem:$0x19800] =	vst v63  }
0xc5: {  	_ =	swait.ge [sflag:s23], $0x6200  }
0xc6: {  	[sflag:s23] =	ssyncset.done $0x0  }
0xc7: {  	s15 =	rddreg [dreg:$0x7];
	[sflag:s23] =	ssyncadd.s32 $0xFFFF9E00  }
0xc8: {  	[hbm4b:s15+s7] =	stream.strided.scatter [tilespmem:s3], [sflag:$0x5], $0x6200, s13, s7, $0x38;
	[tilespmem:$0x19800] =	vst v63  }
0xc9: {  	_ =	swait.ge [sflag:s11], $0x6200  }
0xca: {  	[sflag:s11] =	ssyncset.done $0x0  }
0xcb: {  	s17 =	sadd.s32 s30, s2;
	[sflag:s11] =	ssyncadd.s32 $0xFFFF9E00  }
0xcc: {  	[tilespmem:s3], [sflag:$0x1] =	stream.strided.gather [hbm4b:s17+s7], $0x6200, s22, s7, $0x38;
	[tilespmem:$0x19800] =	vst v63  }
0xcd: {  	_ =	swait.ge [sflag:s21], $0x6200  }
0xce: {  	[sflag:s21] =	ssyncset.done $0x0  }
0xcf: {  	s8 =	simm.s32 $0x6;
	s29 =	rddreg [dreg:$0x8];
	[sflag:s21] =	ssyncadd.s32 $0xFFFF9E00  }
0xd0: {  	[hbm4b:s29+s7] =	stream.strided.scatter [tilespmem:s10], [sflag:$0x6], $0x6200, s13, s7, $0x38;
	[tilespmem:$0x19800] =	vst v63  }
0xd1: {  	_ =	swait.ge [sflag:s8], $0x6200  }
0xd2: {  	[sflag:s8] =	ssyncset.done $0x0  }
0xd3: {  	s1 =	sadd.s32 s2, s16;
	[sflag:s8] =	ssyncadd.s32 $0xFFFF9E00  }
0xd4: {  	[tilespmem:s10], [sflag:$0x2] =	stream.strided.gather [hbm4b:s1+s7], $0x6200, s22, s7, $0x38;
	[tilespmem:$0x19800] =	vst v63  }
0xd5: {  	_ =	swait.ge [sflag:s19], $0x6200  }
0xd6: {  	[sflag:s19] =	ssyncset.done $0x0  }
0xd7: {  	s5 =	smul.u32 $0x62000, s5;
	s15 =	rddreg [dreg:$0x9];
	[sflag:s19] =	ssyncadd.s32 $0xFFFF9E00  }
0xd8: {  	[hbm4b:s15+s7] =	stream.strided.scatter [tilespmem:s4], [sflag:$0x7], $0x6200, s13, s7, $0x38;
	[tilespmem:$0x19800] =	vst v63  }
0xd9: {  	s5 =	sor.u32 s24, s5;
	_ =	swait.ge [sflag:s9], $0x6200  }
0xda: {  	s26 =	sshrl.u32 s5, $0x3;
	[sflag:s9] =	ssyncset.done $0x0  }
0xdb: {  	s17 =	sadd.s32 s30, s26;
	[sflag:s9] =	ssyncadd.s32 $0xFFFF9E00  }
0xdc: {  	[tilespmem:s4], [sflag:$0x3] =	stream.strided.gather [hbm4b:s17+s7], $0x6200, s22, s7, $0x38;
	[tilespmem:$0x19800] =	vst v63  }
0xdd: {  	_ =	swait.ge [sflag:s18], $0x6200  }
0xde: {  	[sflag:s18] =	ssyncset.done $0x0  }
0xdf: {  	s29 =	rddreg [dreg:$0xa];
	[sflag:s18] =	ssyncadd.s32 $0xFFFF9E00  }
0xe0: {  	[hbm4b:s29+s7] =	stream.strided.scatter [tilespmem:s31], [sflag:$0x8], $0x6200, s13, s7, $0x38;
	[tilespmem:$0x19800] =	vst v63  }
0xe1: {  	_ =	swait.ge [sflag:s12], $0x6200  }
0xe2: {  	[sflag:s12] =	ssyncset.done $0x0  }
0xe3: {  	s1 =	sadd.s32 s26, s16;
	[sflag:s12] =	ssyncadd.s32 $0xFFFF9E00  }
0xe4: {  	[tilespmem:s31], [sflag:$0x4] =	stream.strided.gather [hbm4b:s1+s7], $0x6200, s22, s7, $0x38;
	[tilespmem:$0x19800] =	vst v63  }
0xe5: {  	_ =	swait.ge [sflag:s23], $0x6200  }
0xe6: {  	[sflag:s23] =	ssyncset.done $0x0  }
0xe7: {  	s2 =	simm.s32 $0x400;
	s15 =	rddreg [dreg:$0xb];
	[sflag:s23] =	ssyncadd.s32 $0xFFFF9E00  }
0xe8: {  	[hbm4b:s15+s7] =	stream.strided.scatter [tilespmem:s2], [sflag:$0x5], $0x6200, s13, s7, $0x38;
	[tilespmem:$0x19800] =	vst v63  }
0xe9: {  	_ =	swait.ge [sflag:s21], $0x6200  }
0xea: {  	[sflag:s21] =	ssyncset.done $0x0  }
0xeb: {  	s17 =	rddreg [dreg:$0xc];
	[sflag:s21] =	ssyncadd.s32 $0xFFFF9E00  }
0xec: {  	[hbm4b:s17+s7] =	stream.strided.scatter [tilespmem:s10], [sflag:$0x6], $0x6200, s13, s7, $0x38;
	[tilespmem:$0x19800] =	vst v63  }
0xed: {  	_ =	swait.ge [sflag:s19], $0x6200  }
0xee: {  	[sflag:s19] =	ssyncset.done $0x0  }
0xef: {  	s26 =	rddreg [dreg:$0xd];
	[sflag:s19] =	ssyncadd.s32 $0xFFFF9E00  }
0xf0: {  	[hbm4b:s26+s7] =	stream.strided.scatter [tilespmem:s4], [sflag:$0x7], $0x6200, s13, s7, $0x38;
	[tilespmem:$0x19800] =	vst v63  }
0xf1: {  	_ =	swait.ge [sflag:s18], $0x6200  }
0xf2: {  	[sflag:s18] =	ssyncset.done $0x0  }
0xf3: {  	s29 =	rddreg [dreg:$0xe];
	[sflag:s18] =	ssyncadd.s32 $0xFFFF9E00  }
0xf4: {  	[hbm4b:s29+s7] =	stream.strided.scatter [tilespmem:s31], [sflag:$0x8], $0x6200, s13, s7, $0x38;
	[tilespmem:$0x19800] =	vst v63  }
0xf5: {  	_ =	swait.ge [sflag:s11], $0x6200  }
0xf6: {  	[sflag:s11] =	ssyncset.done $0x0  }
0xf7: {  	[sflag:s11] =	ssyncadd.s32 $0xFFFF9E00  }
0xf8: {  	_ =	swait.ge [sflag:s8], $0x6200  }
0xf9: {  	[sflag:s8] =	ssyncset.done $0x0  }
0xfa: {  	[sflag:s8] =	ssyncadd.s32 $0xFFFF9E00  }
0xfb: {  	_ =	swait.ge [sflag:s9], $0x6200  }
0xfc: {  	[sflag:s9] =	ssyncset.done $0x0  }
0xfd: {  	[sflag:s9] =	ssyncadd.s32 $0xFFFF9E00  }
0xfe: {  	_ =	swait.ge [sflag:s12], $0x6200  }
0xff: {  	[sflag:s12] =	ssyncset.done $0x0  }
0x100: {  	[sflag:s12] =	ssyncadd.s32 $0xFFFF9E00  }
0x101: {  	_ =	swait.ge [sflag:s6], $0x100  }
0x102: {  	[sflag:s6] =	ssyncset.done $0x0  }
0x103: {  	[sflag:s6] =	ssyncadd.s32 $0xFFFFFF00  }
0x104: {  	_ =	swait.ge [sflag:s6], $0x100  }
0x105: {  	[sflag:s6] =	ssyncset.done $0x0  }
0x106: {  	[sflag:s6] =	ssyncadd.s32 $0xFFFFFF00  }
0x107: {  	p1 =	sne.s32 s25, $0x1;
	_ =	swait.ge [sflag:s6], $0x100  }
.Ltmp2:
0x108: {  	[sflag:s6] =	ssyncset.done $0x0;
	(pc) =	sbr.rel @p1 .LBB2_3-.Ltmp2, $4  }
0x109: {  	[sflag:s6] =	ssyncadd.s32 $0xFFFFFF00  }
0x10a: {  	s25 =	sadd.s32 $0xFFFFFFFF, s25;
	_ =	swait.ge [sflag:s6], $0x100  }
0x10b: {  	s5 =	simm.s32 $0x19400;
	[sflag:s6] =	ssyncset.done $0x0;
	s26 =	rddreg [dreg:$0xf]  }
0x10c: {  	s3 =	simm.s32 $0xA;
	s28 =	rddreg [dreg:$0x18];
	[sflag:s6] =	ssyncadd.s32 $0xFFFFFF00  }
0x10d: {  	s15 =	stileid.u32;
	s17 =	rddreg [dreg:$0x5]  }
.LBB2_5:
0x10e: {  	[hbm4b:s26+s28] =	stream.strided.scatter @p0 [tilespmem:s5], [sflag:$0xA], $0x400, s2, s28, $0x38;
	[tilespmem:$0x19800] =	vst v63  }
0x10f: {  	_ =	swait.ge @p0 [sflag:s3], $0x400  }
0x110: {  	[sflag:s3] =	ssyncset.done @p0 $0x0  }
0x111: {  	s0 =	rddreg [dreg:$0x6];
	[sflag:s3] =	ssyncadd.s32 @p0 $0xFFFFFC00  }
0x112: {  	[tilespmem:s20], [sflag:$0xA] =	stream.linear.gather [hbm4b:s0+s20], $0x400, $0x38;
	[tilespmem:$0x19800] =	vst v63  }
0x113: {  	_ =	swait.ge [sflag:s3], $0x400  }
0x114: {  	[sflag:s3] =	ssyncset.done $0x0  }
0x115: {  	s10 =	rddreg [dreg:$0x10];
	[sflag:s3] =	ssyncadd.s32 $0xFFFFFC00  }
0x116: {  	v1 =	vld [tilespmem:s10+$0x0];
	_ =	sdelay $0x4  }
0x117: {  	v0 =	vperm.xlane v1, v0;
	_ =	sdelay $0x1  }
0x118: {  	(v2sf) =	vpush v0, $0x0;
	_ =	sdelay $0x7  }
0x119: {  	(v2sf) =	vpush v0, $0x1;
	_ =	sdelay $0x6  }
0x11a: {  	s0 =	spop (v2sf)  }
0x11b: {  	(v2sf) =	vpush v0, $0x2;
	s1 =	sshll.u32 s0, $0xB  }
0x11c: {  	s1 =	sor.u32 s24, s1  }
0x11d: {  	s1 =	sshrl.u32 s1, $0x3  }
0x11e: {  	s1 =	sadd.s32 s14, s1  }
0x11f: {  	[tilespmem:s5], [sflag:$0x9] =	stream.linear.gather [hbm4b:s1+s20], $0x80, $0x38;
	[tilespmem:$0x19800] =	vst v63  }
0x120: {  	s25 =	rddreg [dreg:$0x11];
	s1 =	sadd.s32 $0x80, s1  }
0x121: {  	[tilespmem:s25], [sflag:$0x9] =	stream.linear.gather [hbm4b:s1+s20], $0x80, $0x38;
	[tilespmem:$0x19800] =	vst v63  }
0x122: {  	s1 =	spop (v2sf)  }
0x123: {  	(v2sf) =	vpush v0, $0x3;
	s28 =	sshll.u32 s1, $0xB  }
0x124: {  	s2 =	sor.u32 s24, s28  }
0x125: {  	s2 =	sshrl.u32 s2, $0x3  }
0x126: {  	s4 =	rddreg [dreg:$0x12];
	s2 =	sadd.s32 s14, s2  }
0x127: {  	[tilespmem:s4], [sflag:$0x9] =	stream.linear.gather [hbm4b:s2+s20], $0x80, $0x38;
	[tilespmem:$0x19800] =	vst v63  }
0x128: {  	s29 =	rddreg [dreg:$0x13];
	s2 =	sadd.s32 $0x80, s2  }
0x129: {  	[tilespmem:s29], [sflag:$0x9] =	stream.linear.gather [hbm4b:s2+s20], $0x80, $0x38;
	[tilespmem:$0x19800] =	vst v63  }
0x12a: {  	s2 =	spop (v2sf)  }
0x12b: {  	s5 =	sshll.u32 s2, $0xB  }
0x12c: {  	s4 =	sor.u32 s24, s5  }
0x12d: {  	s4 =	sshrl.u32 s4, $0x3  }
0x12e: {  	s5 =	rddreg [dreg:$0x14];
	s4 =	sadd.s32 s14, s4  }
0x12f: {  	[tilespmem:s5], [sflag:$0x9] =	stream.linear.gather [hbm4b:s4+s20], $0x80, $0x38;
	[tilespmem:$0x19800] =	vst v63  }
0x130: {  	s10 =	rddreg [dreg:$0x15];
	s4 =	sadd.s32 $0x80, s4  }
0x131: {  	[tilespmem:s10], [sflag:$0x9] =	stream.linear.gather [hbm4b:s4+s20], $0x80, $0x38;
	[tilespmem:$0x19800] =	vst v63  }
0x132: {  	s4 =	spop (v2sf)  }
0x133: {  	s10 =	sshll.u32 s4, $0xB  }
0x134: {  	s0 =	smul.u32 $0x62000, s0;
	s5 =	sor.u32 s24, s10  }
0x135: {  	s5 =	sshrl.u32 s5, $0x3  }
0x136: {  	s0 =	sor.u32 s24, s0;
	s10 =	rddreg [dreg:$0x16];
	s5 =	sadd.s32 s14, s5  }
0x137: {  	[tilespmem:s10], [sflag:$0x9] =	stream.linear.gather [hbm4b:s5+s20], $0x80, $0x38;
	[tilespmem:$0x19800] =	vst v63  }
0x138: {  	s0 =	sshrl.u32 s0, $0x3;
	s14 =	rddreg [dreg:$0x17];
	s5 =	sadd.s32 $0x80, s5  }
0x139: {  	[tilespmem:s14], [sflag:$0x9] =	stream.linear.gather [hbm4b:s5+s20], $0x80, $0x38;
	[tilespmem:$0x19800] =	vst v63  }
0x13a: {  	s26 =	simm.s32 $0x400;
	s1 =	smul.u32 $0x62000, s1;
	s10 =	sadd.s32 s30, s0  }
0x13b: {  	[tilespmem:s26], [sflag:$0x1] =	stream.strided.gather [hbm4b:s10+s7], $0x6200, s22, s7, $0x38;
	[tilespmem:$0x19800] =	vst v63  }
0x13c: {  	s29 =	simm.s32 $0x6800;
	s0 =	sadd.s32 s0, s16;
	s14 =	sor.u32 s24, s1  }
0x13d: {  	[tilespmem:s29], [sflag:$0x2] =	stream.strided.gather [hbm4b:s0+s7], $0x6200, s22, s7, $0x38;
	[tilespmem:$0x19800] =	vst v63  }
0x13e: {  	s0 =	sshrl.u32 s14, $0x3  }
0x13f: {  	s28 =	simm.s32 $0xCC00;
	s20 =	sadd.s32 s30, s0  }
0x140: {  	[tilespmem:s28], [sflag:$0x3] =	stream.strided.gather [hbm4b:s20+s7], $0x6200, s22, s7, $0x38;
	[tilespmem:$0x19800] =	vst v63  }
0x141: {  	s0 =	sadd.s32 s0, s16  }
0x142: {  	[tilespmem:s31], [sflag:$0x4] =	stream.strided.gather [hbm4b:s0+s7], $0x6200, s22, s7, $0x38;
	[tilespmem:$0x19800] =	vst v63  }
0x143: {  	_ =	swait.ge [sflag:s23], $0x6200  }
0x144: {  	[sflag:s23] =	ssyncset.done $0x0  }
0x145: {  	s5 =	smul.u32 $0x62000, s2;
	s1 =	rddreg [dreg:$0x7];
	[sflag:s23] =	ssyncadd.s32 $0xFFFF9E00  }
0x146: {  	[hbm4b:s1+s7] =	stream.strided.scatter [tilespmem:s26], [sflag:$0x5], $0x6200, s13, s7, $0x38;
	[tilespmem:$0x19800] =	vst v63  }
0x147: {  	s10 =	sor.u32 s24, s5;
	_ =	swait.ge [sflag:s11], $0x6200  }
0x148: {  	s0 =	sshrl.u32 s10, $0x3;
	[sflag:s11] =	ssyncset.done $0x0  }
0x149: {  	s14 =	sadd.s32 s30, s0;
	[sflag:s11] =	ssyncadd.s32 $0xFFFF9E00  }
0x14a: {  	[tilespmem:s26], [sflag:$0x1] =	stream.strided.gather [hbm4b:s14+s7], $0x6200, s22, s7, $0x38;
	[tilespmem:$0x19800] =	vst v63  }
0x14b: {  	_ =	swait.ge [sflag:s21], $0x6200  }
0x14c: {  	[sflag:s21] =	ssyncset.done $0x0  }
0x14d: {  	s20 =	rddreg [dreg:$0x8];
	[sflag:s21] =	ssyncadd.s32 $0xFFFF9E00  }
0x14e: {  	[hbm4b:s20+s7] =	stream.strided.scatter [tilespmem:s29], [sflag:$0x6], $0x6200, s13, s7, $0x38;
	[tilespmem:$0x19800] =	vst v63  }
0x14f: {  	_ =	swait.ge [sflag:s8], $0x6200  }
0x150: {  	[sflag:s8] =	ssyncset.done $0x0  }
0x151: {  	s0 =	sadd.s32 s0, s16;
	[sflag:s8] =	ssyncadd.s32 $0xFFFF9E00  }
0x152: {  	[tilespmem:s29], [sflag:$0x2] =	stream.strided.gather [hbm4b:s0+s7], $0x6200, s22, s7, $0x38;
	[tilespmem:$0x19800] =	vst v63  }
0x153: {  	_ =	swait.ge [sflag:s19], $0x6200  }
0x154: {  	[sflag:s19] =	ssyncset.done $0x0  }
0x155: {  	s5 =	smul.u32 $0x62000, s4;
	s2 =	rddreg [dreg:$0x9];
	[sflag:s19] =	ssyncadd.s32 $0xFFFF9E00  }
0x156: {  	[hbm4b:s2+s7] =	stream.strided.scatter [tilespmem:s28], [sflag:$0x7], $0x6200, s13, s7, $0x38;
	[tilespmem:$0x19800] =	vst v63  }
0x157: {  	s10 =	sor.u32 s24, s5;
	_ =	swait.ge [sflag:s9], $0x6200  }
0x158: {  	s0 =	sshrl.u32 s10, $0x3;
	[sflag:s9] =	ssyncset.done $0x0  }
0x159: {  	s14 =	sadd.s32 s30, s0;
	[sflag:s9] =	ssyncadd.s32 $0xFFFF9E00  }
0x15a: {  	[tilespmem:s28], [sflag:$0x3] =	stream.strided.gather [hbm4b:s14+s7], $0x6200, s22, s7, $0x38;
	[tilespmem:$0x19800] =	vst v63  }
0x15b: {  	_ =	swait.ge [sflag:s18], $0x6200  }
0x15c: {  	[sflag:s18] =	ssyncset.done $0x0  }
0x15d: {  	s20 =	rddreg [dreg:$0xa];
	[sflag:s18] =	ssyncadd.s32 $0xFFFF9E00  }
0x15e: {  	[hbm4b:s20+s7] =	stream.strided.scatter [tilespmem:s31], [sflag:$0x8], $0x6200, s13, s7, $0x38;
	[tilespmem:$0x19800] =	vst v63  }
0x15f: {  	_ =	swait.ge [sflag:s12], $0x6200  }
0x160: {  	[sflag:s12] =	ssyncset.done $0x0  }
0x161: {  	s0 =	sadd.s32 s0, s16;
	[sflag:s12] =	ssyncadd.s32 $0xFFFF9E00  }
0x162: {  	[tilespmem:s31], [sflag:$0x4] =	stream.strided.gather [hbm4b:s0+s7], $0x6200, s22, s7, $0x38;
	[tilespmem:$0x19800] =	vst v63  }
0x163: {  	_ =	swait.ge [sflag:s23], $0x6200  }
0x164: {  	[sflag:s23] =	ssyncset.done $0x0  }
0x165: {  	s22 =	rddreg [dreg:$0xb];
	[sflag:s23] =	ssyncadd.s32 $0xFFFF9E00  }
0x166: {  	[hbm4b:s22+s7] =	stream.strided.scatter [tilespmem:s26], [sflag:$0x5], $0x6200, s13, s7, $0x38;
	[tilespmem:$0x19800] =	vst v63  }
0x167: {  	_ =	swait.ge [sflag:s21], $0x6200  }
0x168: {  	[sflag:s21] =	ssyncset.done $0x0  }
0x169: {  	s23 =	rddreg [dreg:$0xc];
	[sflag:s21] =	ssyncadd.s32 $0xFFFF9E00  }
0x16a: {  	[hbm4b:s23+s7] =	stream.strided.scatter [tilespmem:s29], [sflag:$0x6], $0x6200, s13, s7, $0x38;
	[tilespmem:$0x19800] =	vst v63  }
0x16b: {  	_ =	swait.ge [sflag:s19], $0x6200  }
0x16c: {  	[sflag:s19] =	ssyncset.done $0x0  }
0x16d: {  	s24 =	rddreg [dreg:$0xd];
	[sflag:s19] =	ssyncadd.s32 $0xFFFF9E00  }
0x16e: {  	[hbm4b:s24+s7] =	stream.strided.scatter [tilespmem:s28], [sflag:$0x7], $0x6200, s13, s7, $0x38;
	[tilespmem:$0x19800] =	vst v63  }
0x16f: {  	_ =	swait.ge [sflag:s18], $0x6200  }
0x170: {  	[sflag:s18] =	ssyncset.done $0x0  }
0x171: {  	s29 =	rddreg [dreg:$0xe];
	[sflag:s18] =	ssyncadd.s32 $0xFFFF9E00  }
0x172: {  	[hbm4b:s29+s7] =	stream.strided.scatter [tilespmem:s31], [sflag:$0x8], $0x6200, s13, s7, $0x38;
	[tilespmem:$0x19800] =	vst v63  }
0x173: {  	_ =	swait.ge [sflag:s11], $0x6200  }
0x174: {  	[sflag:s11] =	ssyncset.done $0x0  }
0x175: {  	[sflag:s11] =	ssyncadd.s32 $0xFFFF9E00  }
0x176: {  	_ =	swait.ge [sflag:s8], $0x6200  }
0x177: {  	[sflag:s8] =	ssyncset.done $0x0  }
0x178: {  	[sflag:s8] =	ssyncadd.s32 $0xFFFF9E00  }
0x179: {  	_ =	swait.ge [sflag:s9], $0x6200  }
0x17a: {  	[sflag:s9] =	ssyncset.done $0x0  }
0x17b: {  	[sflag:s9] =	ssyncadd.s32 $0xFFFF9E00  }
0x17c: {  	_ =	swait.ge [sflag:s12], $0x6200  }
0x17d: {  	[sflag:s12] =	ssyncset.done $0x0  }
0x17e: {  	[sflag:s12] =	ssyncadd.s32 $0xFFFF9E00  }
0x17f: {  	_ =	swait.ge [sflag:s6], $0x100  }
0x180: {  	[sflag:s6] =	ssyncset.done $0x0  }
0x181: {  	[sflag:s6] =	ssyncadd.s32 $0xFFFFFF00  }
0x182: {  	_ =	swait.ge [sflag:s6], $0x100  }
0x183: {  	[sflag:s6] =	ssyncset.done $0x0  }
0x184: {  	[sflag:s6] =	ssyncadd.s32 $0xFFFFFF00  }
0x185: {  	_ =	swait.ge [sflag:s6], $0x100  }
0x186: {  	[sflag:s6] =	ssyncset.done $0x0  }
0x187: {  	[sflag:s6] =	ssyncadd.s32 $0xFFFFFF00  }
0x188: {  	_ =	swait.ge [sflag:s6], $0x100  }
0x189: {  	s30 =	rddreg [dreg:$0xf];
	[sflag:s6] =	ssyncset.done $0x0  }
0x18a: {  	s25 =	simm.s32 $0x19400;
	s31 =	rddreg [dreg:$0x18];
	[sflag:s6] =	ssyncadd.s32 $0xFFFFFF00  }
0x18b: {  	[hbm4b:s30+s31] =	stream.strided.scatter [tilespmem:s25], [sflag:$0xA], $0x400, s26, s31, $0x38;
	[tilespmem:$0x19800] =	vst v63  }
0x18c: {  	_ =	swait.ge [sflag:s3], $0x400  }
0x18d: {  	[sflag:s3] =	ssyncset.done $0x0  }
0x18e: {  	[sflag:s3] =	ssyncadd.s32 $0xFFFFFC00  }
0x18f: {  	_ =	sfence.sel $0x180000  }
0x190: {  	[bflag:$0x0] =	sbarrier.arrive $0xFFFF  }
0x191: {  	p0 =	sne.s32 s15, $0x0;
	_ =	strace $0x90000047  }
0x192: {  	s0 =	sadd.s32 @!p0 $0x100000, s17;
	[bflag:$0x2] =	sbarrier.arrive $0xFFFF  }
0x193: {  	[sflag:s0] =	ssyncadd.tile.s32 @!p0 $0x1;
	_ =	shalt  }
.LBB2_2:
.Ltmp3:
0x194: {  	(pc) =	sbr.rel .LBB2_5-.Ltmp3, $2  }
0x195: {  	_ =	sdelay $0x2  }
0x196: {  	s15 =	stileid.u32;
	s17 =	rddreg [dreg:$0x5]  }
.Lfunc_end2:
_tile_overlayer_lowered:
.L_overlay_start_2:
0x197: {  	(tag) =	ssettag $0x2  }
0x198: {  	s0 =	rddreg [dreg:$0x0];
	s2 =	stileid.u32  }
0x199: {  	s1 =	rddreg [dreg:$0x1];
	p0 =	sne.s32 s2, $0x0  }
0x19a: {  	s3 =	rddreg [dreg:$0x2];
	[bflag:$0x3] =	sbarrier.arrive $0xFFFF;
	s2 =	simm.s32 @!p0 $0x1C0A  }
0x19b: {  	[timem:s3], [sflag:s2] =	dma.local @!p0 [hbm:s0], s1  }
0x19c: {  	s0 =	simm.s32 @!p0 $0xA  }
0x19d: {  	_ =	swait.ge @!p0 [sflag:s0], s1  }
0x19e: {  	s1 =	ssub.s32 @!p0 $0x0, s1;
	[sflag:s0] =	ssyncset.done @!p0 $0x0  }
0x19f: {  	[sflag:s0] =	ssyncadd.s32 @!p0 s1  }
0x1a0: {  	[bflag:$0x3] =	sbarrier.arrive $0xFFFF  }
0x1a1: {  	_ =	shalt  }

</sc_bundles>
